<compile_context>
chip_gen: v7x
topology: tpu7x:2x2x1
jax: 0.10.2.dev20260603
libtpu: 0.0.44.dev20260713+nightly
codegen_flags: <defaults>
</compile_context>

<pallas_src>
import jax
import jax.numpy as jnp
from jax import lax
from jax.experimental import pallas as pl
from jax.experimental.pallas import tpu as pltpu
from jax.experimental.pallas import tpu_sc as plsc

N_ROWS = 320000
D = 128
S = 10000
S_HALF = S // 2
NC = 2
NS = 16
C = 128
CT = 16
NBUF = 4
FIX = N_ROWS // NC
PER_A = (FIX // NS // C) * C
XTRA = (FIX - NS * PER_A) // C
NF_BASE = PER_A // C
NF_MAX = NF_BASE + 1
MAXG = (NF_MAX + NBUF - 1) // NBUF
ACC_R = S_HALF + 8
ZC = 40
NZCH = S_HALF // ZC
NZ_ITER = (NZCH + NS - 1) // NS
NBLK = N_ROWS // 16


def _sc_body(data_hbm, ids_hbm, out_hbm,
             dbuf, iall, dbt, ibt, ibt2, sbuf, zbuf, acc, *sems):
    semd = sems[:NBUF]
    semz = sems[NBUF]
    semi = sems[NBUF + 1]
    semg = sems[NBUF + 2]
    c = lax.axis_index("c")
    s = lax.axis_index("s")
    base_seg = c * S_HALF

    def fix_ids(v):
        rel = v - base_seg
        ok = (rel >= 0) & (rel < S_HALF)
        return jnp.where(ok, rel, S_HALF)

    zv = jnp.zeros((16,), jnp.float32)

    def zfill(r, carry):
        for v in range(D // 16):
            zbuf[r, pl.ds(v * 16, 16)] = zv
        return carry

    lax.fori_loop(0, ZC, zfill, 0)

    def zero_chunk(k, carry):
        j = s + k * NS

        @pl.when(j < NZCH)
        def _():
            pltpu.async_copy(zbuf, acc.at[pl.ds(j * ZC, ZC)], semz)

        return carry

    lax.fori_loop(0, NZ_ITER, zero_chunk, 0)

    a_base = pl.multiple_of(
        c * FIX + s * PER_A + jnp.minimum(s, XTRA) * C, 16)
    nfull_a = jnp.int32(NF_BASE) + jnp.where(s < XTRA, 1, 0)

    def issue_a(slot, k):
        off = pl.multiple_of(a_base + k * C, 16)
        pltpu.async_copy(data_hbm.at[pl.ds(off, C)], dbuf.at[slot],
                         semd[slot])

    for b in range(NBUF):
        pl.when(b < nfull_a)(lambda b=b: issue_a(b, jnp.int32(b)))
    def ids_issue(k, carry):
        off = pl.multiple_of(a_base + k * C, 16)
        pltpu.async_copy(ids_hbm.at[pl.ds(off, C)], iall.at[k], semi)
        return carry

    lax.fori_loop(0, nfull_a, ids_issue, 0)

    iota16 = lax.iota(jnp.int32, 16)

    def sample_count(base, stp):
        idx = jnp.minimum(base + iota16 * stp, N_ROWS - 1)
        pltpu.async_copy(ids_hbm.at[idx], sbuf, semg).wait()
        below = jnp.where(sbuf[...] < S_HALF, 1, 0)
        cnt = below[0]
        for i in range(1, 16):
            cnt = cnt + below[i]
        return cnt

    base = jnp.int32(0)
    for stp in (20000, 1250, 79, 5):
        cnt = sample_count(base, stp)
        base = jnp.minimum(
            base + jnp.maximum(cnt - 1, 0) * stp, N_ROWS - 1)
    split = jnp.minimum(base + sample_count(base, 1), N_ROWS)

    def remap_row(k, carry):
        pltpu.make_async_copy(
            ids_hbm.at[pl.ds(0, C)], iall.at[k], semi).wait()
        for v in range(C // 16):
            iall[k, pl.ds(v * 16, 16)] = fix_ids(iall[k, pl.ds(v * 16, 16)])
        return carry

    lax.fori_loop(0, nfull_a, remap_row, 0)

    def zero_drain(k, carry):
        j = s + k * NS

        @pl.when(j < NZCH)
        def _():
            pltpu.make_async_copy(
                zbuf, acc.at[pl.ds(j * ZC, ZC)], semz).wait()

        return carry

    lax.fori_loop(0, NZ_ITER, zero_drain, 0)
    plsc.subcore_barrier()

    def outer(g, carry):
        for b in range(NBUF):
            k = g * NBUF + b

            def do(b=b, k=k):
                pltpu.make_async_copy(
                    data_hbm.at[pl.ds(0, C)], dbuf.at[b], semd[b]).wait()
                pltpu.sync_copy(dbuf.at[b], acc.at[iall.at[k]], add=True)
                pl.when(k + NBUF < nfull_a)(
                    lambda: issue_a(b, k + NBUF))

            pl.when(k < nfull_a)(do)
        return carry

    lax.fori_loop(0, MAXG, outer, 0)

    up16 = jnp.bitwise_and(split + 15, jnp.int32(~15))
    dn16 = jnp.bitwise_and(split, jnp.int32(~15))
    bstart = jnp.where(c == 0, FIX, jnp.minimum(dn16, FIX))
    bend = jnp.where(c == 0, jnp.maximum(up16, FIX), FIX)
    blen = bend - bstart
    per_b = (blen >> 8) << 4
    rem_b = (blen - (per_b << 4)) >> 4
    b_base = pl.multiple_of(
        bstart + s * per_b + jnp.minimum(s, rem_b) * 16, 16)
    b_len = per_b + jnp.where(s < rem_b, 16, 0)

    def b_chunk(t, carry):
        off = pl.multiple_of(b_base + t * CT, 16)
        pltpu.sync_copy(data_hbm.at[pl.ds(off, CT)], dbt)
        pltpu.sync_copy(ids_hbm.at[pl.ds(off, CT)], ibt)
        ibt2[...] = fix_ids(ibt[...])
        pltpu.sync_copy(dbt, acc.at[ibt2], add=True)
        return carry

    lax.fori_loop(0, b_len >> 4, b_chunk, 0)
    plsc.subcore_barrier()

    def wout_chunk(k, carry):
        j = s + k * NS

        @pl.when(j < NZCH)
        def _():
            pltpu.async_copy(acc.at[pl.ds(j * ZC, ZC)],
                             out_hbm.at[pl.ds(base_seg + j * ZC, ZC)],
                             semz)

        return carry

    lax.fori_loop(0, NZ_ITER, wout_chunk, 0)

    def wout_drain(k, carry):
        j = s + k * NS

        @pl.when(j < NZCH)
        def _():
            pltpu.make_async_copy(
                acc.at[pl.ds(j * ZC, ZC)],
                out_hbm.at[pl.ds(base_seg + j * ZC, ZC)], semz).wait()

        return carry

    lax.fori_loop(0, NZ_ITER, wout_drain, 0)


@jax.jit
def _sc_segment_sum(data, ids):
    mesh = plsc.VectorSubcoreMesh(
        core_axis_name="c", subcore_axis_name="s",
        num_cores=NC, num_subcores=NS)
    f = pl.kernel(
        _sc_body,
        out_type=jax.ShapeDtypeStruct((S, D), jnp.float32),
        mesh=mesh,
        scratch_types=(
            [pltpu.VMEM((NBUF, C, D), jnp.float32),
             pltpu.VMEM((NF_MAX, C), jnp.int32),
             pltpu.VMEM((CT, D), jnp.float32),
             pltpu.VMEM((CT,), jnp.int32),
             pltpu.VMEM((CT,), jnp.int32),
             pltpu.VMEM((16,), jnp.int32),
             pltpu.VMEM((ZC, D), jnp.float32),
             pltpu.VMEM_SHARED((ACC_R, D), jnp.float32)]
            + [pltpu.SemaphoreType.DMA] * (NBUF + 3)
        ),
    )
    return f(data, ids)


def kernel(data, segment_ids, num_segments):
    ids = segment_ids.astype(jnp.int32)
    return _sc_segment_sum(data, ids)

# --- scband reference (transcript-rebuilt; emitter-appended) ---
"""Pipeline reference for scband-coupled-femsolver-43087111914309 (READ-ONLY COPY).

The authoritative reference and input builder live on the scoring server;
editing this copy changes nothing except your own understanding.
"""

import jax, jax.numpy as jnp
import numpy as np

N_ELEMS = 320000
D_FEAT = 128
NUM_SEGMENTS = 10000


def setup_inputs(seed: int = 0) -> dict:
    key = jax.random.key(seed)
    k1, k2 = jax.random.split(key)
    data = jax.random.normal(k1, (N_ELEMS, D_FEAT), dtype=jnp.float32)
    segment_ids = jnp.sort(jax.random.randint(k2, (N_ELEMS,), 0, NUM_SEGMENTS, dtype=jnp.int64 if jax.config.jax_enable_x64 else jnp.int32))
    return {"data": data, "segment_ids": segment_ids, "num_segments": NUM_SEGMENTS}


def reference(data, segment_ids, num_segments):
    # Core computation of CoupledFEMSolver's global assembly step:
    # per-element contributions (local K_e / M_e rows flattened to feature
    # vectors) are scatter-added into global node/segment slots. This is a
    # canonical segment-sum over sorted segment ids.
    segment_ids = segment_ids + (num_segments - num_segments)
    out = jax.ops.segment_sum(data, segment_ids, num_segments=NUM_SEGMENTS)
    return out

if __name__ == "__main__":
    import jax
    _d = setup_inputs()
    print(jax.jit(kernel)(*tuple(_d.values())))

</pallas_src>

<mosaic_0001>
#map = affine_map<(d0, d1) -> (0, 0)>
#map1 = affine_map<(d0, d1) -> (0)>
module attributes {stable_mosaic.version = 14 : i64} {
  func.func @_sc_body(%arg0: i32, %arg1: i32, %arg2: memref<320000x128xf32, #tpu.memory_space<hbm>>, %arg3: memref<320000xi32, #tpu.memory_space<hbm>>, %arg4: memref<10000x128xf32, #tpu.memory_space<hbm>>, %arg5: memref<4x128x128xf32, #tpu.memory_space<vmem>>, %arg6: memref<79x128xi32, #tpu.memory_space<vmem>>, %arg7: memref<16x128xf32, #tpu.memory_space<vmem>>, %arg8: memref<16xi32, #tpu.memory_space<vmem>>, %arg9: memref<16xi32, #tpu.memory_space<vmem>>, %arg10: memref<16xi32, #tpu.memory_space<vmem>>, %arg11: memref<40x128xf32, #tpu.memory_space<vmem>>, %arg12: memref<5008x128xf32, #tpu.memory_space<vmem_shared>>, %arg13: memref<!tpu.dma_semaphore, #tpu.memory_space<semaphore_mem>>, %arg14: memref<!tpu.dma_semaphore, #tpu.memory_space<semaphore_mem>>, %arg15: memref<!tpu.dma_semaphore, #tpu.memory_space<semaphore_mem>>, %arg16: memref<!tpu.dma_semaphore, #tpu.memory_space<semaphore_mem>>, %arg17: memref<!tpu.dma_semaphore, #tpu.memory_space<semaphore_mem>>, %arg18: memref<!tpu.dma_semaphore, #tpu.memory_space<semaphore_mem>>, %arg19: memref<!tpu.dma_semaphore, #tpu.memory_space<semaphore_mem>>) attributes {dimension_semantics = [#tpu.dimension_semantics<core_parallel>, #tpu.dimension_semantics<subcore_parallel>], iteration_bounds = array<i64: 2, 16>, scalar_prefetch = 0 : i64, scratch_operands = 15 : i64, tpu.core_type = #tpu.core_type<sc_vector_subcore>, window_params = [{transform_indices = #map}, {transform_indices = #map1}, {transform_indices = #map}]} {
    %mul3A = arith.constant 5000 : i32
    %mul3A_0 = arith.muli %arg0, %mul3A : i32
    %broadcast_in_dim3A = arith.constant 0.000000e+00 : f32
    %broadcast_in_dim3A_1 = vector.broadcast %broadcast_in_dim3A : f32 to vector<16xf32>
    %scan3A = arith.constant 0 : i32
    %scan3A_2 = arith.constant 0 : i32
    %scan3A_3 = arith.constant 40 : i32
    %scan3A_4 = arith.addi %scan3A_2, %scan3A_3 : i32
    %scan3A_5 = arith.constant 1 : i32
    scf.for %scan3A_518 = %scan3A_2 to %scan3A_4 step %scan3A_5  : i32 {
      %swap3A = arith.index_cast %scan3A_518 : i32 to index
      %swap3A_519 = arith.constant 0 : index
      %swap3A_520 = tpu.vector_load %arg11[%swap3A, %swap3A_519] {strides = array<i32>} : memref<40x128xf32, #tpu.memory_space<vmem>>, vector<1x16xf32>,
      %swap3A_521 = vector.shape_cast %swap3A_520 : vector<1x16xf32> to vector<16xf32>
      %swap3A_522 = vector.shape_cast %broadcast_in_dim3A_1 : vector<16xf32> to vector<1x16xf32>
      tpu.vector_store %arg11[%swap3A, %swap3A_519], %swap3A_522 {strides = array<i32>} : memref<40x128xf32, #tpu.memory_space<vmem>>, vector<1x16xf32>,
      %swap3A_523 = arith.index_cast %scan3A_518 : i32 to index
      %swap3A_524 = arith.constant 16 : index
      %swap3A_525 = tpu.vector_load %arg11[%swap3A_523, %swap3A_524] {strides = array<i32>} : memref<40x128xf32, #tpu.memory_space<vmem>>, vector<1x16xf32>,
      %swap3A_526 = vector.shape_cast %swap3A_525 : vector<1x16xf32> to vector<16xf32>
      %swap3A_527 = vector.shape_cast %broadcast_in_dim3A_1 : vector<16xf32> to vector<1x16xf32>
      tpu.vector_store %arg11[%swap3A_523, %swap3A_524], %swap3A_527 {strides = array<i32>} : memref<40x128xf32, #tpu.memory_space<vmem>>, vector<1x16xf32>,
      %swap3A_528 = arith.index_cast %scan3A_518 : i32 to index
      %swap3A_529 = arith.constant 32 : index
      %swap3A_530 = tpu.vector_load %arg11[%swap3A_528, %swap3A_529] {strides = array<i32>} : memref<40x128xf32, #tpu.memory_space<vmem>>, vector<1x16xf32>,
      %swap3A_531 = vector.shape_cast %swap3A_530 : vector<1x16xf32> to vector<16xf32>
      %swap3A_532 = vector.shape_cast %broadcast_in_dim3A_1 : vector<16xf32> to vector<1x16xf32>
      tpu.vector_store %arg11[%swap3A_528, %swap3A_529], %swap3A_532 {strides = array<i32>} : memref<40x128xf32, #tpu.memory_space<vmem>>, vector<1x16xf32>,
      %swap3A_533 = arith.index_cast %scan3A_518 : i32 to index
      %swap3A_534 = arith.constant 48 : index
      %swap3A_535 = tpu.vector_load %arg11[%swap3A_533, %swap3A_534] {strides = array<i32>} : memref<40x128xf32, #tpu.memory_space<vmem>>, vector<1x16xf32>,
      %swap3A_536 = vector.shape_cast %swap3A_535 : vector<1x16xf32> to vector<16xf32>
      %swap3A_537 = vector.shape_cast %broadcast_in_dim3A_1 : vector<16xf32> to vector<1x16xf32>
      tpu.vector_store %arg11[%swap3A_533, %swap3A_534], %swap3A_537 {strides = array<i32>} : memref<40x128xf32, #tpu.memory_space<vmem>>, vector<1x16xf32>,
      %swap3A_538 = arith.index_cast %scan3A_518 : i32 to index
      %swap3A_539 = arith.constant 64 : index
      %swap3A_540 = tpu.vector_load %arg11[%swap3A_538, %swap3A_539] {strides = array<i32>} : memref<40x128xf32, #tpu.memory_space<vmem>>, vector<1x16xf32>,
      %swap3A_541 = vector.shape_cast %swap3A_540 : vector<1x16xf32> to vector<16xf32>
      %swap3A_542 = vector.shape_cast %broadcast_in_dim3A_1 : vector<16xf32> to vector<1x16xf32>
      tpu.vector_store %arg11[%swap3A_538, %swap3A_539], %swap3A_542 {strides = array<i32>} : memref<40x128xf32, #tpu.memory_space<vmem>>, vector<1x16xf32>,
      %swap3A_543 = arith.index_cast %scan3A_518 : i32 to index
      %swap3A_544 = arith.constant 80 : index
      %swap3A_545 = tpu.vector_load %arg11[%swap3A_543, %swap3A_544] {strides = array<i32>} : memref<40x128xf32, #tpu.memory_space<vmem>>, vector<1x16xf32>,
      %swap3A_546 = vector.shape_cast %swap3A_545 : vector<1x16xf32> to vector<16xf32>
      %swap3A_547 = vector.shape_cast %broadcast_in_dim3A_1 : vector<16xf32> to vector<1x16xf32>
      tpu.vector_store %arg11[%swap3A_543, %swap3A_544], %swap3A_547 {strides = array<i32>} : memref<40x128xf32, #tpu.memory_space<vmem>>, vector<1x16xf32>,
      %swap3A_548 = arith.index_cast %scan3A_518 : i32 to index
      %swap3A_549 = arith.constant 96 : index
      %swap3A_550 = tpu.vector_load %arg11[%swap3A_548, %swap3A_549] {strides = array<i32>} : memref<40x128xf32, #tpu.memory_space<vmem>>, vector<1x16xf32>,
      %swap3A_551 = vector.shape_cast %swap3A_550 : vector<1x16xf32> to vector<16xf32>
      %swap3A_552 = vector.shape_cast %broadcast_in_dim3A_1 : vector<16xf32> to vector<1x16xf32>
      tpu.vector_store %arg11[%swap3A_548, %swap3A_549], %swap3A_552 {strides = array<i32>} : memref<40x128xf32, #tpu.memory_space<vmem>>, vector<1x16xf32>,
      %swap3A_553 = arith.index_cast %scan3A_518 : i32 to index
      %swap3A_554 = arith.constant 112 : index
      %swap3A_555 = tpu.vector_load %arg11[%swap3A_553, %swap3A_554] {strides = array<i32>} : memref<40x128xf32, #tpu.memory_space<vmem>>, vector<1x16xf32>,
      %swap3A_556 = vector.shape_cast %swap3A_555 : vector<1x16xf32> to vector<16xf32>
      %swap3A_557 = vector.shape_cast %broadcast_in_dim3A_1 : vector<16xf32> to vector<1x16xf32>
      tpu.vector_store %arg11[%swap3A_553, %swap3A_554], %swap3A_557 {strides = array<i32>} : memref<40x128xf32, #tpu.memory_space<vmem>>, vector<1x16xf32>,
    }
    %scan3A_6 = arith.constant 40 : i32
    %scan3A_7 = arith.constant 0 : i32
    %scan3A_8 = arith.constant 0 : i32
    %scan3A_9 = arith.constant 8 : i32
    %scan3A_10 = arith.addi %scan3A_8, %scan3A_9 : i32
    %scan3A_11 = arith.constant 1 : i32
    scf.for %scan3A_518 = %scan3A_8 to %scan3A_10 step %scan3A_11  : i32 {
      %mul3A_519 = arith.constant 16 : i32
      %mul3A_520 = arith.muli %scan3A_518, %mul3A_519 : i32
      %add3A_521 = arith.addi %arg1, %mul3A_520 : i32
      %lt3A_522 = arith.constant 125 : i32
      %lt3A_523 = arith.cmpi slt, %add3A_521, %lt3A_522 : i32
      %convert_element_type3A_524 = arith.extui %lt3A_523 : i1 to i32
      %cond3A_525 = arith.constant 0 : i32
      %cond3A_526 = arith.cmpi ne, %convert_element_type3A_524, %cond3A_525 : i32
      scf.if %cond3A_526 {
        %mul3A_527 = arith.constant 40 : i32
        %mul3A_528 = arith.muli %add3A_521, %mul3A_527 : i32
        %dma_start3A_529 = arith.constant 0 : i32
        %dma_start3A_530 = tpu.memref_slice %arg12[%mul3A_528, %dma_start3A_529] : memref<5008x128xf32, #tpu.memory_space<vmem_shared>> -> memref<40x128xf32, #tpu.memory_space<vmem_shared>>
        %dma_start3A_531 = arith.constant 0 : i32
        %dma_start3A_532 = tpu.memref_slice %arg12[%mul3A_528, %dma_start3A_531] : memref<5008x128xf32, #tpu.memory_space<vmem_shared>> -> memref<40x128xf32, #tpu.memory_space<vmem_shared>>
        tpu.enqueue_dma source(%arg11 : memref<40x128xf32, #tpu.memory_space<vmem>>) target(%dma_start3A_532 : memref<40x128xf32, #tpu.memory_space<vmem_shared>>) target_semaphore(%arg17 : memref<!tpu.dma_semaphore, #tpu.memory_space<semaphore_mem>>)
      } else {
      }
    }
    %scan3A_12 = arith.constant 8 : i32
    %mul3A_13 = arith.constant 160000 : i32
    %mul3A_14 = arith.muli %arg0, %mul3A_13 : i32
    %mul3A_15 = arith.constant 9984 : i32
    %mul3A_16 = arith.muli %arg1, %mul3A_15 : i32
    %add3A = arith.addi %mul3A_14, %mul3A_16 : i32
    %min3A = arith.constant 2 : i32
    %min3A_17 = arith.minsi %arg1, %min3A : i32
    %mul3A_18 = arith.constant 128 : i32
    %mul3A_19 = arith.muli %min3A_17, %mul3A_18 : i32
    %add3A_20 = arith.addi %add3A, %mul3A_19 : i32
    %multiple_of3A = tpu.assume_multiple %add3A_20, 16 : i32
    %lt3A = arith.constant 2 : i32
    %lt3A_21 = arith.cmpi slt, %arg1, %lt3A : i32
    %jit3A = arith.constant 1 : i32
    %jit3A_22 = arith.constant 0 : i32
    %select_n3A = arith.select %lt3A_21, %jit3A, %jit3A_22 : i32
    %add3A_23 = arith.constant 78 : i32
    %add3A_24 = arith.addi %add3A_23, %select_n3A : i32
    %gt3A = arith.constant 0 : i32
    %gt3A_25 = arith.cmpi sgt, %add3A_24, %gt3A : i32
    %convert_element_type3A = arith.extui %gt3A_25 : i1 to i32
    %cond3A = arith.constant 0 : i32
    %cond3A_26 = arith.cmpi ne, %convert_element_type3A, %cond3A : i32
    scf.if %cond3A_26 {
      %mul3A_518 = arith.constant 0 : i32
      %mul3A_519 = arith.constant 128 : i32
      %mul3A_520 = arith.muli %mul3A_518, %mul3A_519 : i32
      %add3A_521 = arith.addi %multiple_of3A, %mul3A_520 : i32
      %multiple_of3A_522 = tpu.assume_multiple %add3A_521, 16 : i32
      %dma_start3A_523 = arith.constant 0 : i32
      %dma_start3A_524 = arith.constant 0 : i32
      %dma_start3A_525 = arith.constant 0 : i32
      %dma_start3A_526 = tpu.memref_slice %arg5[%dma_start3A_523, %dma_start3A_524, %dma_start3A_525] : memref<4x128x128xf32, #tpu.memory_space<vmem>> -> memref<1x128x128xf32, #tpu.memory_space<vmem>>
      %dma_start3A_527 = tpu.memref_squeeze %dma_start3A_526 : memref<1x128x128xf32, #tpu.memory_space<vmem>> -> memref<128x128xf32, #tpu.memory_space<vmem>>
      %dma_start3A_528 = arith.constant 0 : i32
      %dma_start3A_529 = tpu.memref_slice %arg2[%multiple_of3A_522, %dma_start3A_528] : memref<320000x128xf32, #tpu.memory_space<hbm>> -> memref<128x128xf32, #tpu.memory_space<hbm>>
      %dma_start3A_530 = arith.constant 0 : i32
      %dma_start3A_531 = arith.constant 0 : i32
      %dma_start3A_532 = tpu.memref_slice %arg5[%dma_start3A_523, %dma_start3A_530, %dma_start3A_531] : memref<4x128x128xf32, #tpu.memory_space<vmem>> -> memref<1x128x128xf32, #tpu.memory_space<vmem>>
      %dma_start3A_533 = tpu.memref_squeeze %dma_start3A_532 : memref<1x128x128xf32, #tpu.memory_space<vmem>> -> memref<128x128xf32, #tpu.memory_space<vmem>>
      %dma_start3A_534 = arith.constant 0 : i32
      %dma_start3A_535 = tpu.memref_slice %arg2[%multiple_of3A_522, %dma_start3A_534] : memref<320000x128xf32, #tpu.memory_space<hbm>> -> memref<128x128xf32, #tpu.memory_space<hbm>>
      tpu.enqueue_dma source(%dma_start3A_535 : memref<128x128xf32, #tpu.memory_space<hbm>>) target(%dma_start3A_533 : memref<128x128xf32, #tpu.memory_space<vmem>>) target_semaphore(%arg13 : memref<!tpu.dma_semaphore, #tpu.memory_space<semaphore_mem>>)
    } else {
    }
    %gt3A_27 = arith.constant 1 : i32
    %gt3A_28 = arith.cmpi sgt, %add3A_24, %gt3A_27 : i32
    %convert_element_type3A_29 = arith.extui %gt3A_28 : i1 to i32
    %cond3A_30 = arith.constant 0 : i32
    %cond3A_31 = arith.cmpi ne, %convert_element_type3A_29, %cond3A_30 : i32
    scf.if %cond3A_31 {
      %mul3A_518 = arith.constant 1 : i32
      %mul3A_519 = arith.constant 128 : i32
      %mul3A_520 = arith.muli %mul3A_518, %mul3A_519 : i32
      %add3A_521 = arith.addi %multiple_of3A, %mul3A_520 : i32
      %multiple_of3A_522 = tpu.assume_multiple %add3A_521, 16 : i32
      %dma_start3A_523 = arith.constant 1 : i32
      %dma_start3A_524 = arith.constant 0 : i32
      %dma_start3A_525 = arith.constant 0 : i32
      %dma_start3A_526 = tpu.memref_slice %arg5[%dma_start3A_523, %dma_start3A_524, %dma_start3A_525] : memref<4x128x128xf32, #tpu.memory_space<vmem>> -> memref<1x128x128xf32, #tpu.memory_space<vmem>>
      %dma_start3A_527 = tpu.memref_squeeze %dma_start3A_526 : memref<1x128x128xf32, #tpu.memory_space<vmem>> -> memref<128x128xf32, #tpu.memory_space<vmem>>
      %dma_start3A_528 = arith.constant 0 : i32
      %dma_start3A_529 = tpu.memref_slice %arg2[%multiple_of3A_522, %dma_start3A_528] : memref<320000x128xf32, #tpu.memory_space<hbm>> -> memref<128x128xf32, #tpu.memory_space<hbm>>
      %dma_start3A_530 = arith.constant 0 : i32
      %dma_start3A_531 = arith.constant 0 : i32
      %dma_start3A_532 = tpu.memref_slice %arg5[%dma_start3A_523, %dma_start3A_530, %dma_start3A_531] : memref<4x128x128xf32, #tpu.memory_space<vmem>> -> memref<1x128x128xf32, #tpu.memory_space<vmem>>
      %dma_start3A_533 = tpu.memref_squeeze %dma_start3A_532 : memref<1x128x128xf32, #tpu.memory_space<vmem>> -> memref<128x128xf32, #tpu.memory_space<vmem>>
      %dma_start3A_534 = arith.constant 0 : i32
      %dma_start3A_535 = tpu.memref_slice %arg2[%multiple_of3A_522, %dma_start3A_534] : memref<320000x128xf32, #tpu.memory_space<hbm>> -> memref<128x128xf32, #tpu.memory_space<hbm>>
      tpu.enqueue_dma source(%dma_start3A_535 : memref<128x128xf32, #tpu.memory_space<hbm>>) target(%dma_start3A_533 : memref<128x128xf32, #tpu.memory_space<vmem>>) target_semaphore(%arg14 : memref<!tpu.dma_semaphore, #tpu.memory_space<semaphore_mem>>)
    } else {
    }
    %gt3A_32 = arith.constant 2 : i32
    %gt3A_33 = arith.cmpi sgt, %add3A_24, %gt3A_32 : i32
    %convert_element_type3A_34 = arith.extui %gt3A_33 : i1 to i32
    %cond3A_35 = arith.constant 0 : i32
    %cond3A_36 = arith.cmpi ne, %convert_element_type3A_34, %cond3A_35 : i32
    scf.if %cond3A_36 {
      %mul3A_518 = arith.constant 2 : i32
      %mul3A_519 = arith.constant 128 : i32
      %mul3A_520 = arith.muli %mul3A_518, %mul3A_519 : i32
      %add3A_521 = arith.addi %multiple_of3A, %mul3A_520 : i32
      %multiple_of3A_522 = tpu.assume_multiple %add3A_521, 16 : i32
      %dma_start3A_523 = arith.constant 2 : i32
      %dma_start3A_524 = arith.constant 0 : i32
      %dma_start3A_525 = arith.constant 0 : i32
      %dma_start3A_526 = tpu.memref_slice %arg5[%dma_start3A_523, %dma_start3A_524, %dma_start3A_525] : memref<4x128x128xf32, #tpu.memory_space<vmem>> -> memref<1x128x128xf32, #tpu.memory_space<vmem>>
      %dma_start3A_527 = tpu.memref_squeeze %dma_start3A_526 : memref<1x128x128xf32, #tpu.memory_space<vmem>> -> memref<128x128xf32, #tpu.memory_space<vmem>>
      %dma_start3A_528 = arith.constant 0 : i32
      %dma_start3A_529 = tpu.memref_slice %arg2[%multiple_of3A_522, %dma_start3A_528] : memref<320000x128xf32, #tpu.memory_space<hbm>> -> memref<128x128xf32, #tpu.memory_space<hbm>>
      %dma_start3A_530 = arith.constant 0 : i32
      %dma_start3A_531 = arith.constant 0 : i32
      %dma_start3A_532 = tpu.memref_slice %arg5[%dma_start3A_523, %dma_start3A_530, %dma_start3A_531] : memref<4x128x128xf32, #tpu.memory_space<vmem>> -> memref<1x128x128xf32, #tpu.memory_space<vmem>>
      %dma_start3A_533 = tpu.memref_squeeze %dma_start3A_532 : memref<1x128x128xf32, #tpu.memory_space<vmem>> -> memref<128x128xf32, #tpu.memory_space<vmem>>
      %dma_start3A_534 = arith.constant 0 : i32
      %dma_start3A_535 = tpu.memref_slice %arg2[%multiple_of3A_522, %dma_start3A_534] : memref<320000x128xf32, #tpu.memory_space<hbm>> -> memref<128x128xf32, #tpu.memory_space<hbm>>
      tpu.enqueue_dma source(%dma_start3A_535 : memref<128x128xf32, #tpu.memory_space<hbm>>) target(%dma_start3A_533 : memref<128x128xf32, #tpu.memory_space<vmem>>) target_semaphore(%arg15 : memref<!tpu.dma_semaphore, #tpu.memory_space<semaphore_mem>>)
    } else {
    }
    %gt3A_37 = arith.constant 3 : i32
    %gt3A_38 = arith.cmpi sgt, %add3A_24, %gt3A_37 : i32
    %convert_element_type3A_39 = arith.extui %gt3A_38 : i1 to i32
    %cond3A_40 = arith.constant 0 : i32
    %cond3A_41 = arith.cmpi ne, %convert_element_type3A_39, %cond3A_40 : i32
    scf.if %cond3A_41 {
      %mul3A_518 = arith.constant 3 : i32
      %mul3A_519 = arith.constant 128 : i32
      %mul3A_520 = arith.muli %mul3A_518, %mul3A_519 : i32
      %add3A_521 = arith.addi %multiple_of3A, %mul3A_520 : i32
      %multiple_of3A_522 = tpu.assume_multiple %add3A_521, 16 : i32
      %dma_start3A_523 = arith.constant 3 : i32
      %dma_start3A_524 = arith.constant 0 : i32
      %dma_start3A_525 = arith.constant 0 : i32
      %dma_start3A_526 = tpu.memref_slice %arg5[%dma_start3A_523, %dma_start3A_524, %dma_start3A_525] : memref<4x128x128xf32, #tpu.memory_space<vmem>> -> memref<1x128x128xf32, #tpu.memory_space<vmem>>
      %dma_start3A_527 = tpu.memref_squeeze %dma_start3A_526 : memref<1x128x128xf32, #tpu.memory_space<vmem>> -> memref<128x128xf32, #tpu.memory_space<vmem>>
      %dma_start3A_528 = arith.constant 0 : i32
      %dma_start3A_529 = tpu.memref_slice %arg2[%multiple_of3A_522, %dma_start3A_528] : memref<320000x128xf32, #tpu.memory_space<hbm>> -> memref<128x128xf32, #tpu.memory_space<hbm>>
      %dma_start3A_530 = arith.constant 0 : i32
      %dma_start3A_531 = arith.constant 0 : i32
      %dma_start3A_532 = tpu.memref_slice %arg5[%dma_start3A_523, %dma_start3A_530, %dma_start3A_531] : memref<4x128x128xf32, #tpu.memory_space<vmem>> -> memref<1x128x128xf32, #tpu.memory_space<vmem>>
      %dma_start3A_533 = tpu.memref_squeeze %dma_start3A_532 : memref<1x128x128xf32, #tpu.memory_space<vmem>> -> memref<128x128xf32, #tpu.memory_space<vmem>>
      %dma_start3A_534 = arith.constant 0 : i32
      %dma_start3A_535 = tpu.memref_slice %arg2[%multiple_of3A_522, %dma_start3A_534] : memref<320000x128xf32, #tpu.memory_space<hbm>> -> memref<128x128xf32, #tpu.memory_space<hbm>>
      tpu.enqueue_dma source(%dma_start3A_535 : memref<128x128xf32, #tpu.memory_space<hbm>>) target(%dma_start3A_533 : memref<128x128xf32, #tpu.memory_space<vmem>>) target_semaphore(%arg16 : memref<!tpu.dma_semaphore, #tpu.memory_space<semaphore_mem>>)
    } else {
    }
    %while3A = arith.constant 0 : i32
    %while3A_42 = arith.constant 0 : i32
    %while3A_43 = arith.subi %add3A_24, %while3A_42 : i32
    %while3A_44 = arith.addi %while3A_42, %while3A_43 : i32
    %while3A_45 = arith.constant 1 : i32
    %while3A_46 = arith.divsi %while3A_43, %while3A_45 : i32
    %while3A_47 = arith.muli %while3A_46, %while3A_45 : i32
    %while3A_48 = arith.addi %while3A_42, %while3A_47 : i32
    %while3A_49 = arith.constant 1 : i32
    scf.for %while3A_518 = %while3A_42 to %while3A_48 step %while3A_49  : i32 {
      %mul3A_519 = arith.constant 128 : i32
      %mul3A_520 = arith.muli %while3A_518, %mul3A_519 : i32
      %add3A_521 = arith.addi %multiple_of3A, %mul3A_520 : i32
      %multiple_of3A_522 = tpu.assume_multiple %add3A_521, 16 : i32
      %dma_start3A_523 = arith.constant 0 : i32
      %dma_start3A_524 = tpu.memref_slice %arg6[%while3A_518, %dma_start3A_523] : memref<79x128xi32, #tpu.memory_space<vmem>> -> memref<1x128xi32, #tpu.memory_space<vmem>>
      %dma_start3A_525 = tpu.memref_squeeze %dma_start3A_524 : memref<1x128xi32, #tpu.memory_space<vmem>> -> memref<128xi32, #tpu.memory_space<vmem>>
      %dma_start3A_526 = tpu.memref_slice %arg3[%multiple_of3A_522] : memref<320000xi32, #tpu.memory_space<hbm>> -> memref<128xi32, #tpu.memory_space<hbm>>
      %dma_start3A_527 = arith.constant 0 : i32
      %dma_start3A_528 = tpu.memref_slice %arg6[%while3A_518, %dma_start3A_527] : memref<79x128xi32, #tpu.memory_space<vmem>> -> memref<1x128xi32, #tpu.memory_space<vmem>>
      %dma_start3A_529 = tpu.memref_squeeze %dma_start3A_528 : memref<1x128xi32, #tpu.memory_space<vmem>> -> memref<128xi32, #tpu.memory_space<vmem>>
      %dma_start3A_530 = tpu.memref_slice %arg3[%multiple_of3A_522] : memref<320000xi32, #tpu.memory_space<hbm>> -> memref<128xi32, #tpu.memory_space<hbm>>
      tpu.enqueue_dma source(%dma_start3A_530 : memref<128xi32, #tpu.memory_space<hbm>>) target(%dma_start3A_529 : memref<128xi32, #tpu.memory_space<vmem>>) target_semaphore(%arg18 : memref<!tpu.dma_semaphore, #tpu.memory_space<semaphore_mem>>)
    }
    %while3A_50 = arith.constant 1 : i32
    scf.for %while3A_518 = %while3A_48 to %while3A_44 step %while3A_50  : i32 {
      %mul3A_519 = arith.constant 128 : i32
      %mul3A_520 = arith.muli %while3A_518, %mul3A_519 : i32
      %add3A_521 = arith.addi %multiple_of3A, %mul3A_520 : i32
      %multiple_of3A_522 = tpu.assume_multiple %add3A_521, 16 : i32
      %dma_start3A_523 = arith.constant 0 : i32
      %dma_start3A_524 = tpu.memref_slice %arg6[%while3A_518, %dma_start3A_523] : memref<79x128xi32, #tpu.memory_space<vmem>> -> memref<1x128xi32, #tpu.memory_space<vmem>>
      %dma_start3A_525 = tpu.memref_squeeze %dma_start3A_524 : memref<1x128xi32, #tpu.memory_space<vmem>> -> memref<128xi32, #tpu.memory_space<vmem>>
      %dma_start3A_526 = tpu.memref_slice %arg3[%multiple_of3A_522] : memref<320000xi32, #tpu.memory_space<hbm>> -> memref<128xi32, #tpu.memory_space<hbm>>
      %dma_start3A_527 = arith.constant 0 : i32
      %dma_start3A_528 = tpu.memref_slice %arg6[%while3A_518, %dma_start3A_527] : memref<79x128xi32, #tpu.memory_space<vmem>> -> memref<1x128xi32, #tpu.memory_space<vmem>>
      %dma_start3A_529 = tpu.memref_squeeze %dma_start3A_528 : memref<1x128xi32, #tpu.memory_space<vmem>> -> memref<128xi32, #tpu.memory_space<vmem>>
      %dma_start3A_530 = tpu.memref_slice %arg3[%multiple_of3A_522] : memref<320000xi32, #tpu.memory_space<hbm>> -> memref<128xi32, #tpu.memory_space<hbm>>
      tpu.enqueue_dma source(%dma_start3A_530 : memref<128xi32, #tpu.memory_space<hbm>>) target(%dma_start3A_529 : memref<128xi32, #tpu.memory_space<vmem>>) target_semaphore(%arg18 : memref<!tpu.dma_semaphore, #tpu.memory_space<semaphore_mem>>)
    }
    %iota3A = tpu.iota {dimensions = array<i32: 0>} : vector<16xi32>
    %mul3A_51 = arith.constant 20000 : i32
    %mul3A_52 = vector.broadcast %mul3A_51 : i32 to vector<16xi32>
    %mul3A_53 = arith.muli %iota3A, %mul3A_52 : vector<16xi32>
    %add3A_54 = arith.constant 0 : i32
    %add3A_55 = vector.broadcast %add3A_54 : i32 to vector<16xi32>
    %add3A_56 = arith.addi %add3A_55, %mul3A_53 : vector<16xi32>
    %min3A_57 = arith.constant 319999 : i32
    %min3A_58 = vector.broadcast %min3A_57 : i32 to vector<16xi32>
    %min3A_59 = arith.minsi %add3A_56, %min3A_58 : vector<16xi32>
    %dma_start3A = arith.constant 0 : i32
    %dma_start3A_60 = tpu.memref_slice %arg3[%dma_start3A] : memref<320000xi32, #tpu.memory_space<hbm>> -> memref<320000xi32, #tpu.memory_space<hbm>>
    tpu.enqueue_indirect_dma source(%dma_start3A_60 : memref<320000xi32, #tpu.memory_space<hbm>>) target(%arg10 : memref<16xi32, #tpu.memory_space<vmem>>) offsets(%min3A_59 : vector<16xi32>) semaphore(%arg19 : memref<!tpu.dma_semaphore, #tpu.memory_space<semaphore_mem>>)
    %dma_wait3A = arith.constant 0 : i32
    %dma_wait3A_61 = tpu.memref_slice %arg3[%dma_wait3A] : memref<320000xi32, #tpu.memory_space<hbm>> -> memref<320000xi32, #tpu.memory_space<hbm>>
    tpu.wait_indirect_dma semaphore(%arg19 : memref<!tpu.dma_semaphore, #tpu.memory_space<semaphore_mem>>) src(%dma_wait3A_61 : memref<320000xi32, #tpu.memory_space<hbm>>) dst(%arg10 : memref<16xi32, #tpu.memory_space<vmem>>)
    %get3A = arith.constant 0 : index
    %get3A_62 = tpu.vector_load %arg10[%get3A] {strides = array<i32>} : memref<16xi32, #tpu.memory_space<vmem>>, vector<16xi32>,
    %get3A_63 = vector.shape_cast %get3A_62 : vector<16xi32> to vector<16xi32>
    %lt3A_64 = arith.constant 5000 : i32
    %lt3A_65 = vector.broadcast %lt3A_64 : i32 to vector<16xi32>
    %lt3A_66 = arith.cmpi slt, %get3A_63, %lt3A_65 : vector<16xi32>
    %jit3A_67 = arith.constant 1 : i32
    %jit3A_68 = arith.constant 0 : i32
    %broadcast_in_dim3A_69 = vector.broadcast %jit3A_67 : i32 to vector<16xi32>
    %broadcast_in_dim3A_70 = vector.broadcast %jit3A_68 : i32 to vector<16xi32>
    %select_n3A_71 = arith.select %lt3A_66, %broadcast_in_dim3A_69, %broadcast_in_dim3A_70 : vector<16xi1>, vector<16xi32>
    %slice3A = vector.extract_strided_slice %select_n3A_71 {offsets = [0], sizes = [1], strides = [1]} : vector<16xi32> to vector<1xi32>
    %squeeze3A = vector.extract %slice3A[0] : i32 from vector<1xi32>
    %slice3A_72 = vector.extract_strided_slice %select_n3A_71 {offsets = [1], sizes = [1], strides = [1]} : vector<16xi32> to vector<1xi32>
    %squeeze3A_73 = vector.extract %slice3A_72[0] : i32 from vector<1xi32>
    %add3A_74 = arith.addi %squeeze3A, %squeeze3A_73 : i32
    %slice3A_75 = vector.extract_strided_slice %select_n3A_71 {offsets = [2], sizes = [1], strides = [1]} : vector<16xi32> to vector<1xi32>
    %squeeze3A_76 = vector.extract %slice3A_75[0] : i32 from vector<1xi32>
    %add3A_77 = arith.addi %add3A_74, %squeeze3A_76 : i32
    %slice3A_78 = vector.extract_strided_slice %select_n3A_71 {offsets = [3], sizes = [1], strides = [1]} : vector<16xi32> to vector<1xi32>
    %squeeze3A_79 = vector.extract %slice3A_78[0] : i32 from vector<1xi32>
    %add3A_80 = arith.addi %add3A_77, %squeeze3A_79 : i32
    %slice3A_81 = vector.extract_strided_slice %select_n3A_71 {offsets = [4], sizes = [1], strides = [1]} : vector<16xi32> to vector<1xi32>
    %squeeze3A_82 = vector.extract %slice3A_81[0] : i32 from vector<1xi32>
    %add3A_83 = arith.addi %add3A_80, %squeeze3A_82 : i32
    %slice3A_84 = vector.extract_strided_slice %select_n3A_71 {offsets = [5], sizes = [1], strides = [1]} : vector<16xi32> to vector<1xi32>
    %squeeze3A_85 = vector.extract %slice3A_84[0] : i32 from vector<1xi32>
    %add3A_86 = arith.addi %add3A_83, %squeeze3A_85 : i32
    %slice3A_87 = vector.extract_strided_slice %select_n3A_71 {offsets = [6], sizes = [1], strides = [1]} : vector<16xi32> to vector<1xi32>
    %squeeze3A_88 = vector.extract %slice3A_87[0] : i32 from vector<1xi32>
    %add3A_89 = arith.addi %add3A_86, %squeeze3A_88 : i32
    %slice3A_90 = vector.extract_strided_slice %select_n3A_71 {offsets = [7], sizes = [1], strides = [1]} : vector<16xi32> to vector<1xi32>
    %squeeze3A_91 = vector.extract %slice3A_90[0] : i32 from vector<1xi32>
    %add3A_92 = arith.addi %add3A_89, %squeeze3A_91 : i32
    %slice3A_93 = vector.extract_strided_slice %select_n3A_71 {offsets = [8], sizes = [1], strides = [1]} : vector<16xi32> to vector<1xi32>
    %squeeze3A_94 = vector.extract %slice3A_93[0] : i32 from vector<1xi32>
    %add3A_95 = arith.addi %add3A_92, %squeeze3A_94 : i32
    %slice3A_96 = vector.extract_strided_slice %select_n3A_71 {offsets = [9], sizes = [1], strides = [1]} : vector<16xi32> to vector<1xi32>
    %squeeze3A_97 = vector.extract %slice3A_96[0] : i32 from vector<1xi32>
    %add3A_98 = arith.addi %add3A_95, %squeeze3A_97 : i32
    %slice3A_99 = vector.extract_strided_slice %select_n3A_71 {offsets = [10], sizes = [1], strides = [1]} : vector<16xi32> to vector<1xi32>
    %squeeze3A_100 = vector.extract %slice3A_99[0] : i32 from vector<1xi32>
    %add3A_101 = arith.addi %add3A_98, %squeeze3A_100 : i32
    %slice3A_102 = vector.extract_strided_slice %select_n3A_71 {offsets = [11], sizes = [1], strides = [1]} : vector<16xi32> to vector<1xi32>
    %squeeze3A_103 = vector.extract %slice3A_102[0] : i32 from vector<1xi32>
    %add3A_104 = arith.addi %add3A_101, %squeeze3A_103 : i32
    %slice3A_105 = vector.extract_strided_slice %select_n3A_71 {offsets = [12], sizes = [1], strides = [1]} : vector<16xi32> to vector<1xi32>
    %squeeze3A_106 = vector.extract %slice3A_105[0] : i32 from vector<1xi32>
    %add3A_107 = arith.addi %add3A_104, %squeeze3A_106 : i32
    %slice3A_108 = vector.extract_strided_slice %select_n3A_71 {offsets = [13], sizes = [1], strides = [1]} : vector<16xi32> to vector<1xi32>
    %squeeze3A_109 = vector.extract %slice3A_108[0] : i32 from vector<1xi32>
    %add3A_110 = arith.addi %add3A_107, %squeeze3A_109 : i32
    %slice3A_111 = vector.extract_strided_slice %select_n3A_71 {offsets = [14], sizes = [1], strides = [1]} : vector<16xi32> to vector<1xi32>
    %squeeze3A_112 = vector.extract %slice3A_111[0] : i32 from vector<1xi32>
    %add3A_113 = arith.addi %add3A_110, %squeeze3A_112 : i32
    %slice3A_114 = vector.extract_strided_slice %select_n3A_71 {offsets = [15], sizes = [1], strides = [1]} : vector<16xi32> to vector<1xi32>
    %squeeze3A_115 = vector.extract %slice3A_114[0] : i32 from vector<1xi32>
    %add3A_116 = arith.addi %add3A_113, %squeeze3A_115 : i32
    %sub3A = arith.constant 1 : i32
    %sub3A_117 = arith.subi %add3A_116, %sub3A : i32
    %max3A = arith.constant 0 : i32
    %max3A_118 = arith.maxsi %sub3A_117, %max3A : i32
    %mul3A_119 = arith.constant 20000 : i32
    %mul3A_120 = arith.muli %max3A_118, %mul3A_119 : i32
    %add3A_121 = arith.constant 0 : i32
    %add3A_122 = arith.addi %add3A_121, %mul3A_120 : i32
    %min3A_123 = arith.constant 319999 : i32
    %min3A_124 = arith.minsi %add3A_122, %min3A_123 : i32
    %mul3A_125 = arith.constant 1250 : i32
    %mul3A_126 = vector.broadcast %mul3A_125 : i32 to vector<16xi32>
    %mul3A_127 = arith.muli %iota3A, %mul3A_126 : vector<16xi32>
    %add3A_128 = vector.broadcast %min3A_124 : i32 to vector<16xi32>
    %add3A_129 = arith.addi %add3A_128, %mul3A_127 : vector<16xi32>
    %min3A_130 = arith.constant 319999 : i32
    %min3A_131 = vector.broadcast %min3A_130 : i32 to vector<16xi32>
    %min3A_132 = arith.minsi %add3A_129, %min3A_131 : vector<16xi32>
    %dma_start3A_133 = arith.constant 0 : i32
    %dma_start3A_134 = tpu.memref_slice %arg3[%dma_start3A_133] : memref<320000xi32, #tpu.memory_space<hbm>> -> memref<320000xi32, #tpu.memory_space<hbm>>
    tpu.enqueue_indirect_dma source(%dma_start3A_134 : memref<320000xi32, #tpu.memory_space<hbm>>) target(%arg10 : memref<16xi32, #tpu.memory_space<vmem>>) offsets(%min3A_132 : vector<16xi32>) semaphore(%arg19 : memref<!tpu.dma_semaphore, #tpu.memory_space<semaphore_mem>>)
    %dma_wait3A_135 = arith.constant 0 : i32
    %dma_wait3A_136 = tpu.memref_slice %arg3[%dma_wait3A_135] : memref<320000xi32, #tpu.memory_space<hbm>> -> memref<320000xi32, #tpu.memory_space<hbm>>
    tpu.wait_indirect_dma semaphore(%arg19 : memref<!tpu.dma_semaphore, #tpu.memory_space<semaphore_mem>>) src(%dma_wait3A_136 : memref<320000xi32, #tpu.memory_space<hbm>>) dst(%arg10 : memref<16xi32, #tpu.memory_space<vmem>>)
    %get3A_137 = arith.constant 0 : index
    %get3A_138 = tpu.vector_load %arg10[%get3A_137] {strides = array<i32>} : memref<16xi32, #tpu.memory_space<vmem>>, vector<16xi32>,
    %get3A_139 = vector.shape_cast %get3A_138 : vector<16xi32> to vector<16xi32>
    %lt3A_140 = arith.constant 5000 : i32
    %lt3A_141 = vector.broadcast %lt3A_140 : i32 to vector<16xi32>
    %lt3A_142 = arith.cmpi slt, %get3A_139, %lt3A_141 : vector<16xi32>
    %jit3A_143 = arith.constant 1 : i32
    %jit3A_144 = arith.constant 0 : i32
    %broadcast_in_dim3A_145 = vector.broadcast %jit3A_143 : i32 to vector<16xi32>
    %broadcast_in_dim3A_146 = vector.broadcast %jit3A_144 : i32 to vector<16xi32>
    %select_n3A_147 = arith.select %lt3A_142, %broadcast_in_dim3A_145, %broadcast_in_dim3A_146 : vector<16xi1>, vector<16xi32>
    %slice3A_148 = vector.extract_strided_slice %select_n3A_147 {offsets = [0], sizes = [1], strides = [1]} : vector<16xi32> to vector<1xi32>
    %squeeze3A_149 = vector.extract %slice3A_148[0] : i32 from vector<1xi32>
    %slice3A_150 = vector.extract_strided_slice %select_n3A_147 {offsets = [1], sizes = [1], strides = [1]} : vector<16xi32> to vector<1xi32>
    %squeeze3A_151 = vector.extract %slice3A_150[0] : i32 from vector<1xi32>
    %add3A_152 = arith.addi %squeeze3A_149, %squeeze3A_151 : i32
    %slice3A_153 = vector.extract_strided_slice %select_n3A_147 {offsets = [2], sizes = [1], strides = [1]} : vector<16xi32> to vector<1xi32>
    %squeeze3A_154 = vector.extract %slice3A_153[0] : i32 from vector<1xi32>
    %add3A_155 = arith.addi %add3A_152, %squeeze3A_154 : i32
    %slice3A_156 = vector.extract_strided_slice %select_n3A_147 {offsets = [3], sizes = [1], strides = [1]} : vector<16xi32> to vector<1xi32>
    %squeeze3A_157 = vector.extract %slice3A_156[0] : i32 from vector<1xi32>
    %add3A_158 = arith.addi %add3A_155, %squeeze3A_157 : i32
    %slice3A_159 = vector.extract_strided_slice %select_n3A_147 {offsets = [4], sizes = [1], strides = [1]} : vector<16xi32> to vector<1xi32>
    %squeeze3A_160 = vector.extract %slice3A_159[0] : i32 from vector<1xi32>
    %add3A_161 = arith.addi %add3A_158, %squeeze3A_160 : i32
    %slice3A_162 = vector.extract_strided_slice %select_n3A_147 {offsets = [5], sizes = [1], strides = [1]} : vector<16xi32> to vector<1xi32>
    %squeeze3A_163 = vector.extract %slice3A_162[0] : i32 from vector<1xi32>
    %add3A_164 = arith.addi %add3A_161, %squeeze3A_163 : i32
    %slice3A_165 = vector.extract_strided_slice %select_n3A_147 {offsets = [6], sizes = [1], strides = [1]} : vector<16xi32> to vector<1xi32>
    %squeeze3A_166 = vector.extract %slice3A_165[0] : i32 from vector<1xi32>
    %add3A_167 = arith.addi %add3A_164, %squeeze3A_166 : i32
    %slice3A_168 = vector.extract_strided_slice %select_n3A_147 {offsets = [7], sizes = [1], strides = [1]} : vector<16xi32> to vector<1xi32>
    %squeeze3A_169 = vector.extract %slice3A_168[0] : i32 from vector<1xi32>
    %add3A_170 = arith.addi %add3A_167, %squeeze3A_169 : i32
    %slice3A_171 = vector.extract_strided_slice %select_n3A_147 {offsets = [8], sizes = [1], strides = [1]} : vector<16xi32> to vector<1xi32>
    %squeeze3A_172 = vector.extract %slice3A_171[0] : i32 from vector<1xi32>
    %add3A_173 = arith.addi %add3A_170, %squeeze3A_172 : i32
    %slice3A_174 = vector.extract_strided_slice %select_n3A_147 {offsets = [9], sizes = [1], strides = [1]} : vector<16xi32> to vector<1xi32>
    %squeeze3A_175 = vector.extract %slice3A_174[0] : i32 from vector<1xi32>
    %add3A_176 = arith.addi %add3A_173, %squeeze3A_175 : i32
    %slice3A_177 = vector.extract_strided_slice %select_n3A_147 {offsets = [10], sizes = [1], strides = [1]} : vector<16xi32> to vector<1xi32>
    %squeeze3A_178 = vector.extract %slice3A_177[0] : i32 from vector<1xi32>
    %add3A_179 = arith.addi %add3A_176, %squeeze3A_178 : i32
    %slice3A_180 = vector.extract_strided_slice %select_n3A_147 {offsets = [11], sizes = [1], strides = [1]} : vector<16xi32> to vector<1xi32>
    %squeeze3A_181 = vector.extract %slice3A_180[0] : i32 from vector<1xi32>
    %add3A_182 = arith.addi %add3A_179, %squeeze3A_181 : i32
    %slice3A_183 = vector.extract_strided_slice %select_n3A_147 {offsets = [12], sizes = [1], strides = [1]} : vector<16xi32> to vector<1xi32>
    %squeeze3A_184 = vector.extract %slice3A_183[0] : i32 from vector<1xi32>
    %add3A_185 = arith.addi %add3A_182, %squeeze3A_184 : i32
    %slice3A_186 = vector.extract_strided_slice %select_n3A_147 {offsets = [13], sizes = [1], strides = [1]} : vector<16xi32> to vector<1xi32>
    %squeeze3A_187 = vector.extract %slice3A_186[0] : i32 from vector<1xi32>
    %add3A_188 = arith.addi %add3A_185, %squeeze3A_187 : i32
    %slice3A_189 = vector.extract_strided_slice %select_n3A_147 {offsets = [14], sizes = [1], strides = [1]} : vector<16xi32> to vector<1xi32>
    %squeeze3A_190 = vector.extract %slice3A_189[0] : i32 from vector<1xi32>
    %add3A_191 = arith.addi %add3A_188, %squeeze3A_190 : i32
    %slice3A_192 = vector.extract_strided_slice %select_n3A_147 {offsets = [15], sizes = [1], strides = [1]} : vector<16xi32> to vector<1xi32>
    %squeeze3A_193 = vector.extract %slice3A_192[0] : i32 from vector<1xi32>
    %add3A_194 = arith.addi %add3A_191, %squeeze3A_193 : i32
    %sub3A_195 = arith.constant 1 : i32
    %sub3A_196 = arith.subi %add3A_194, %sub3A_195 : i32
    %max3A_197 = arith.constant 0 : i32
    %max3A_198 = arith.maxsi %sub3A_196, %max3A_197 : i32
    %mul3A_199 = arith.constant 1250 : i32
    %mul3A_200 = arith.muli %max3A_198, %mul3A_199 : i32
    %add3A_201 = arith.addi %min3A_124, %mul3A_200 : i32
    %min3A_202 = arith.constant 319999 : i32
    %min3A_203 = arith.minsi %add3A_201, %min3A_202 : i32
    %mul3A_204 = arith.constant 79 : i32
    %mul3A_205 = vector.broadcast %mul3A_204 : i32 to vector<16xi32>
    %mul3A_206 = arith.muli %iota3A, %mul3A_205 : vector<16xi32>
    %add3A_207 = vector.broadcast %min3A_203 : i32 to vector<16xi32>
    %add3A_208 = arith.addi %add3A_207, %mul3A_206 : vector<16xi32>
    %min3A_209 = arith.constant 319999 : i32
    %min3A_210 = vector.broadcast %min3A_209 : i32 to vector<16xi32>
    %min3A_211 = arith.minsi %add3A_208, %min3A_210 : vector<16xi32>
    %dma_start3A_212 = arith.constant 0 : i32
    %dma_start3A_213 = tpu.memref_slice %arg3[%dma_start3A_212] : memref<320000xi32, #tpu.memory_space<hbm>> -> memref<320000xi32, #tpu.memory_space<hbm>>
    tpu.enqueue_indirect_dma source(%dma_start3A_213 : memref<320000xi32, #tpu.memory_space<hbm>>) target(%arg10 : memref<16xi32, #tpu.memory_space<vmem>>) offsets(%min3A_211 : vector<16xi32>) semaphore(%arg19 : memref<!tpu.dma_semaphore, #tpu.memory_space<semaphore_mem>>)
    %dma_wait3A_214 = arith.constant 0 : i32
    %dma_wait3A_215 = tpu.memref_slice %arg3[%dma_wait3A_214] : memref<320000xi32, #tpu.memory_space<hbm>> -> memref<320000xi32, #tpu.memory_space<hbm>>
    tpu.wait_indirect_dma semaphore(%arg19 : memref<!tpu.dma_semaphore, #tpu.memory_space<semaphore_mem>>) src(%dma_wait3A_215 : memref<320000xi32, #tpu.memory_space<hbm>>) dst(%arg10 : memref<16xi32, #tpu.memory_space<vmem>>)
    %get3A_216 = arith.constant 0 : index
    %get3A_217 = tpu.vector_load %arg10[%get3A_216] {strides = array<i32>} : memref<16xi32, #tpu.memory_space<vmem>>, vector<16xi32>,
    %get3A_218 = vector.shape_cast %get3A_217 : vector<16xi32> to vector<16xi32>
    %lt3A_219 = arith.constant 5000 : i32
    %lt3A_220 = vector.broadcast %lt3A_219 : i32 to vector<16xi32>
    %lt3A_221 = arith.cmpi slt, %get3A_218, %lt3A_220 : vector<16xi32>
    %jit3A_222 = arith.constant 1 : i32
    %jit3A_223 = arith.constant 0 : i32
    %broadcast_in_dim3A_224 = vector.broadcast %jit3A_222 : i32 to vector<16xi32>
    %broadcast_in_dim3A_225 = vector.broadcast %jit3A_223 : i32 to vector<16xi32>
    %select_n3A_226 = arith.select %lt3A_221, %broadcast_in_dim3A_224, %broadcast_in_dim3A_225 : vector<16xi1>, vector<16xi32>
    %slice3A_227 = vector.extract_strided_slice %select_n3A_226 {offsets = [0], sizes = [1], strides = [1]} : vector<16xi32> to vector<1xi32>
    %squeeze3A_228 = vector.extract %slice3A_227[0] : i32 from vector<1xi32>
    %slice3A_229 = vector.extract_strided_slice %select_n3A_226 {offsets = [1], sizes = [1], strides = [1]} : vector<16xi32> to vector<1xi32>
    %squeeze3A_230 = vector.extract %slice3A_229[0] : i32 from vector<1xi32>
    %add3A_231 = arith.addi %squeeze3A_228, %squeeze3A_230 : i32
    %slice3A_232 = vector.extract_strided_slice %select_n3A_226 {offsets = [2], sizes = [1], strides = [1]} : vector<16xi32> to vector<1xi32>
    %squeeze3A_233 = vector.extract %slice3A_232[0] : i32 from vector<1xi32>
    %add3A_234 = arith.addi %add3A_231, %squeeze3A_233 : i32
    %slice3A_235 = vector.extract_strided_slice %select_n3A_226 {offsets = [3], sizes = [1], strides = [1]} : vector<16xi32> to vector<1xi32>
    %squeeze3A_236 = vector.extract %slice3A_235[0] : i32 from vector<1xi32>
    %add3A_237 = arith.addi %add3A_234, %squeeze3A_236 : i32
    %slice3A_238 = vector.extract_strided_slice %select_n3A_226 {offsets = [4], sizes = [1], strides = [1]} : vector<16xi32> to vector<1xi32>
    %squeeze3A_239 = vector.extract %slice3A_238[0] : i32 from vector<1xi32>
    %add3A_240 = arith.addi %add3A_237, %squeeze3A_239 : i32
    %slice3A_241 = vector.extract_strided_slice %select_n3A_226 {offsets = [5], sizes = [1], strides = [1]} : vector<16xi32> to vector<1xi32>
    %squeeze3A_242 = vector.extract %slice3A_241[0] : i32 from vector<1xi32>
    %add3A_243 = arith.addi %add3A_240, %squeeze3A_242 : i32
    %slice3A_244 = vector.extract_strided_slice %select_n3A_226 {offsets = [6], sizes = [1], strides = [1]} : vector<16xi32> to vector<1xi32>
    %squeeze3A_245 = vector.extract %slice3A_244[0] : i32 from vector<1xi32>
    %add3A_246 = arith.addi %add3A_243, %squeeze3A_245 : i32
    %slice3A_247 = vector.extract_strided_slice %select_n3A_226 {offsets = [7], sizes = [1], strides = [1]} : vector<16xi32> to vector<1xi32>
    %squeeze3A_248 = vector.extract %slice3A_247[0] : i32 from vector<1xi32>
    %add3A_249 = arith.addi %add3A_246, %squeeze3A_248 : i32
    %slice3A_250 = vector.extract_strided_slice %select_n3A_226 {offsets = [8], sizes = [1], strides = [1]} : vector<16xi32> to vector<1xi32>
    %squeeze3A_251 = vector.extract %slice3A_250[0] : i32 from vector<1xi32>
    %add3A_252 = arith.addi %add3A_249, %squeeze3A_251 : i32
    %slice3A_253 = vector.extract_strided_slice %select_n3A_226 {offsets = [9], sizes = [1], strides = [1]} : vector<16xi32> to vector<1xi32>
    %squeeze3A_254 = vector.extract %slice3A_253[0] : i32 from vector<1xi32>
    %add3A_255 = arith.addi %add3A_252, %squeeze3A_254 : i32
    %slice3A_256 = vector.extract_strided_slice %select_n3A_226 {offsets = [10], sizes = [1], strides = [1]} : vector<16xi32> to vector<1xi32>
    %squeeze3A_257 = vector.extract %slice3A_256[0] : i32 from vector<1xi32>
    %add3A_258 = arith.addi %add3A_255, %squeeze3A_257 : i32
    %slice3A_259 = vector.extract_strided_slice %select_n3A_226 {offsets = [11], sizes = [1], strides = [1]} : vector<16xi32> to vector<1xi32>
    %squeeze3A_260 = vector.extract %slice3A_259[0] : i32 from vector<1xi32>
    %add3A_261 = arith.addi %add3A_258, %squeeze3A_260 : i32
    %slice3A_262 = vector.extract_strided_slice %select_n3A_226 {offsets = [12], sizes = [1], strides = [1]} : vector<16xi32> to vector<1xi32>
    %squeeze3A_263 = vector.extract %slice3A_262[0] : i32 from vector<1xi32>
    %add3A_264 = arith.addi %add3A_261, %squeeze3A_263 : i32
    %slice3A_265 = vector.extract_strided_slice %select_n3A_226 {offsets = [13], sizes = [1], strides = [1]} : vector<16xi32> to vector<1xi32>
    %squeeze3A_266 = vector.extract %slice3A_265[0] : i32 from vector<1xi32>
    %add3A_267 = arith.addi %add3A_264, %squeeze3A_266 : i32
    %slice3A_268 = vector.extract_strided_slice %select_n3A_226 {offsets = [14], sizes = [1], strides = [1]} : vector<16xi32> to vector<1xi32>
    %squeeze3A_269 = vector.extract %slice3A_268[0] : i32 from vector<1xi32>
    %add3A_270 = arith.addi %add3A_267, %squeeze3A_269 : i32
    %slice3A_271 = vector.extract_strided_slice %select_n3A_226 {offsets = [15], sizes = [1], strides = [1]} : vector<16xi32> to vector<1xi32>
    %squeeze3A_272 = vector.extract %slice3A_271[0] : i32 from vector<1xi32>
    %add3A_273 = arith.addi %add3A_270, %squeeze3A_272 : i32
    %sub3A_274 = arith.constant 1 : i32
    %sub3A_275 = arith.subi %add3A_273, %sub3A_274 : i32
    %max3A_276 = arith.constant 0 : i32
    %max3A_277 = arith.maxsi %sub3A_275, %max3A_276 : i32
    %mul3A_278 = arith.constant 79 : i32
    %mul3A_279 = arith.muli %max3A_277, %mul3A_278 : i32
    %add3A_280 = arith.addi %min3A_203, %mul3A_279 : i32
    %min3A_281 = arith.constant 319999 : i32
    %min3A_282 = arith.minsi %add3A_280, %min3A_281 : i32
    %mul3A_283 = arith.constant 5 : i32
    %mul3A_284 = vector.broadcast %mul3A_283 : i32 to vector<16xi32>
    %mul3A_285 = arith.muli %iota3A, %mul3A_284 : vector<16xi32>
    %add3A_286 = vector.broadcast %min3A_282 : i32 to vector<16xi32>
    %add3A_287 = arith.addi %add3A_286, %mul3A_285 : vector<16xi32>
    %min3A_288 = arith.constant 319999 : i32
    %min3A_289 = vector.broadcast %min3A_288 : i32 to vector<16xi32>
    %min3A_290 = arith.minsi %add3A_287, %min3A_289 : vector<16xi32>
    %dma_start3A_291 = arith.constant 0 : i32
    %dma_start3A_292 = tpu.memref_slice %arg3[%dma_start3A_291] : memref<320000xi32, #tpu.memory_space<hbm>> -> memref<320000xi32, #tpu.memory_space<hbm>>
    tpu.enqueue_indirect_dma source(%dma_start3A_292 : memref<320000xi32, #tpu.memory_space<hbm>>) target(%arg10 : memref<16xi32, #tpu.memory_space<vmem>>) offsets(%min3A_290 : vector<16xi32>) semaphore(%arg19 : memref<!tpu.dma_semaphore, #tpu.memory_space<semaphore_mem>>)
    %dma_wait3A_293 = arith.constant 0 : i32
    %dma_wait3A_294 = tpu.memref_slice %arg3[%dma_wait3A_293] : memref<320000xi32, #tpu.memory_space<hbm>> -> memref<320000xi32, #tpu.memory_space<hbm>>
    tpu.wait_indirect_dma semaphore(%arg19 : memref<!tpu.dma_semaphore, #tpu.memory_space<semaphore_mem>>) src(%dma_wait3A_294 : memref<320000xi32, #tpu.memory_space<hbm>>) dst(%arg10 : memref<16xi32, #tpu.memory_space<vmem>>)
    %get3A_295 = arith.constant 0 : index
    %get3A_296 = tpu.vector_load %arg10[%get3A_295] {strides = array<i32>} : memref<16xi32, #tpu.memory_space<vmem>>, vector<16xi32>,
    %get3A_297 = vector.shape_cast %get3A_296 : vector<16xi32> to vector<16xi32>
    %lt3A_298 = arith.constant 5000 : i32
    %lt3A_299 = vector.broadcast %lt3A_298 : i32 to vector<16xi32>
    %lt3A_300 = arith.cmpi slt, %get3A_297, %lt3A_299 : vector<16xi32>
    %jit3A_301 = arith.constant 1 : i32
    %jit3A_302 = arith.constant 0 : i32
    %broadcast_in_dim3A_303 = vector.broadcast %jit3A_301 : i32 to vector<16xi32>
    %broadcast_in_dim3A_304 = vector.broadcast %jit3A_302 : i32 to vector<16xi32>
    %select_n3A_305 = arith.select %lt3A_300, %broadcast_in_dim3A_303, %broadcast_in_dim3A_304 : vector<16xi1>, vector<16xi32>
    %slice3A_306 = vector.extract_strided_slice %select_n3A_305 {offsets = [0], sizes = [1], strides = [1]} : vector<16xi32> to vector<1xi32>
    %squeeze3A_307 = vector.extract %slice3A_306[0] : i32 from vector<1xi32>
    %slice3A_308 = vector.extract_strided_slice %select_n3A_305 {offsets = [1], sizes = [1], strides = [1]} : vector<16xi32> to vector<1xi32>
    %squeeze3A_309 = vector.extract %slice3A_308[0] : i32 from vector<1xi32>
    %add3A_310 = arith.addi %squeeze3A_307, %squeeze3A_309 : i32
    %slice3A_311 = vector.extract_strided_slice %select_n3A_305 {offsets = [2], sizes = [1], strides = [1]} : vector<16xi32> to vector<1xi32>
    %squeeze3A_312 = vector.extract %slice3A_311[0] : i32 from vector<1xi32>
    %add3A_313 = arith.addi %add3A_310, %squeeze3A_312 : i32
    %slice3A_314 = vector.extract_strided_slice %select_n3A_305 {offsets = [3], sizes = [1], strides = [1]} : vector<16xi32> to vector<1xi32>
    %squeeze3A_315 = vector.extract %slice3A_314[0] : i32 from vector<1xi32>
    %add3A_316 = arith.addi %add3A_313, %squeeze3A_315 : i32
    %slice3A_317 = vector.extract_strided_slice %select_n3A_305 {offsets = [4], sizes = [1], strides = [1]} : vector<16xi32> to vector<1xi32>
    %squeeze3A_318 = vector.extract %slice3A_317[0] : i32 from vector<1xi32>
    %add3A_319 = arith.addi %add3A_316, %squeeze3A_318 : i32
    %slice3A_320 = vector.extract_strided_slice %select_n3A_305 {offsets = [5], sizes = [1], strides = [1]} : vector<16xi32> to vector<1xi32>
    %squeeze3A_321 = vector.extract %slice3A_320[0] : i32 from vector<1xi32>
    %add3A_322 = arith.addi %add3A_319, %squeeze3A_321 : i32
    %slice3A_323 = vector.extract_strided_slice %select_n3A_305 {offsets = [6], sizes = [1], strides = [1]} : vector<16xi32> to vector<1xi32>
    %squeeze3A_324 = vector.extract %slice3A_323[0] : i32 from vector<1xi32>
    %add3A_325 = arith.addi %add3A_322, %squeeze3A_324 : i32
    %slice3A_326 = vector.extract_strided_slice %select_n3A_305 {offsets = [7], sizes = [1], strides = [1]} : vector<16xi32> to vector<1xi32>
    %squeeze3A_327 = vector.extract %slice3A_326[0] : i32 from vector<1xi32>
    %add3A_328 = arith.addi %add3A_325, %squeeze3A_327 : i32
    %slice3A_329 = vector.extract_strided_slice %select_n3A_305 {offsets = [8], sizes = [1], strides = [1]} : vector<16xi32> to vector<1xi32>
    %squeeze3A_330 = vector.extract %slice3A_329[0] : i32 from vector<1xi32>
    %add3A_331 = arith.addi %add3A_328, %squeeze3A_330 : i32
    %slice3A_332 = vector.extract_strided_slice %select_n3A_305 {offsets = [9], sizes = [1], strides = [1]} : vector<16xi32> to vector<1xi32>
    %squeeze3A_333 = vector.extract %slice3A_332[0] : i32 from vector<1xi32>
    %add3A_334 = arith.addi %add3A_331, %squeeze3A_333 : i32
    %slice3A_335 = vector.extract_strided_slice %select_n3A_305 {offsets = [10], sizes = [1], strides = [1]} : vector<16xi32> to vector<1xi32>
    %squeeze3A_336 = vector.extract %slice3A_335[0] : i32 from vector<1xi32>
    %add3A_337 = arith.addi %add3A_334, %squeeze3A_336 : i32
    %slice3A_338 = vector.extract_strided_slice %select_n3A_305 {offsets = [11], sizes = [1], strides = [1]} : vector<16xi32> to vector<1xi32>
    %squeeze3A_339 = vector.extract %slice3A_338[0] : i32 from vector<1xi32>
    %add3A_340 = arith.addi %add3A_337, %squeeze3A_339 : i32
    %slice3A_341 = vector.extract_strided_slice %select_n3A_305 {offsets = [12], sizes = [1], strides = [1]} : vector<16xi32> to vector<1xi32>
    %squeeze3A_342 = vector.extract %slice3A_341[0] : i32 from vector<1xi32>
    %add3A_343 = arith.addi %add3A_340, %squeeze3A_342 : i32
    %slice3A_344 = vector.extract_strided_slice %select_n3A_305 {offsets = [13], sizes = [1], strides = [1]} : vector<16xi32> to vector<1xi32>
    %squeeze3A_345 = vector.extract %slice3A_344[0] : i32 from vector<1xi32>
    %add3A_346 = arith.addi %add3A_343, %squeeze3A_345 : i32
    %slice3A_347 = vector.extract_strided_slice %select_n3A_305 {offsets = [14], sizes = [1], strides = [1]} : vector<16xi32> to vector<1xi32>
    %squeeze3A_348 = vector.extract %slice3A_347[0] : i32 from vector<1xi32>
    %add3A_349 = arith.addi %add3A_346, %squeeze3A_348 : i32
    %slice3A_350 = vector.extract_strided_slice %select_n3A_305 {offsets = [15], sizes = [1], strides = [1]} : vector<16xi32> to vector<1xi32>
    %squeeze3A_351 = vector.extract %slice3A_350[0] : i32 from vector<1xi32>
    %add3A_352 = arith.addi %add3A_349, %squeeze3A_351 : i32
    %sub3A_353 = arith.constant 1 : i32
    %sub3A_354 = arith.subi %add3A_352, %sub3A_353 : i32
    %max3A_355 = arith.constant 0 : i32
    %max3A_356 = arith.maxsi %sub3A_354, %max3A_355 : i32
    %mul3A_357 = arith.constant 5 : i32
    %mul3A_358 = arith.muli %max3A_356, %mul3A_357 : i32
    %add3A_359 = arith.addi %min3A_282, %mul3A_358 : i32
    %min3A_360 = arith.constant 319999 : i32
    %min3A_361 = arith.minsi %add3A_359, %min3A_360 : i32
    %mul3A_362 = arith.constant 1 : i32
    %mul3A_363 = vector.broadcast %mul3A_362 : i32 to vector<16xi32>
    %mul3A_364 = arith.muli %iota3A, %mul3A_363 : vector<16xi32>
    %add3A_365 = vector.broadcast %min3A_361 : i32 to vector<16xi32>
    %add3A_366 = arith.addi %add3A_365, %mul3A_364 : vector<16xi32>
    %min3A_367 = arith.constant 319999 : i32
    %min3A_368 = vector.broadcast %min3A_367 : i32 to vector<16xi32>
    %min3A_369 = arith.minsi %add3A_366, %min3A_368 : vector<16xi32>
    %dma_start3A_370 = arith.constant 0 : i32
    %dma_start3A_371 = tpu.memref_slice %arg3[%dma_start3A_370] : memref<320000xi32, #tpu.memory_space<hbm>> -> memref<320000xi32, #tpu.memory_space<hbm>>
    tpu.enqueue_indirect_dma source(%dma_start3A_371 : memref<320000xi32, #tpu.memory_space<hbm>>) target(%arg10 : memref<16xi32, #tpu.memory_space<vmem>>) offsets(%min3A_369 : vector<16xi32>) semaphore(%arg19 : memref<!tpu.dma_semaphore, #tpu.memory_space<semaphore_mem>>)
    %dma_wait3A_372 = arith.constant 0 : i32
    %dma_wait3A_373 = tpu.memref_slice %arg3[%dma_wait3A_372] : memref<320000xi32, #tpu.memory_space<hbm>> -> memref<320000xi32, #tpu.memory_space<hbm>>
    tpu.wait_indirect_dma semaphore(%arg19 : memref<!tpu.dma_semaphore, #tpu.memory_space<semaphore_mem>>) src(%dma_wait3A_373 : memref<320000xi32, #tpu.memory_space<hbm>>) dst(%arg10 : memref<16xi32, #tpu.memory_space<vmem>>)
    %get3A_374 = arith.constant 0 : index
    %get3A_375 = tpu.vector_load %arg10[%get3A_374] {strides = array<i32>} : memref<16xi32, #tpu.memory_space<vmem>>, vector<16xi32>,
    %get3A_376 = vector.shape_cast %get3A_375 : vector<16xi32> to vector<16xi32>
    %lt3A_377 = arith.constant 5000 : i32
    %lt3A_378 = vector.broadcast %lt3A_377 : i32 to vector<16xi32>
    %lt3A_379 = arith.cmpi slt, %get3A_376, %lt3A_378 : vector<16xi32>
    %jit3A_380 = arith.constant 1 : i32
    %jit3A_381 = arith.constant 0 : i32
    %broadcast_in_dim3A_382 = vector.broadcast %jit3A_380 : i32 to vector<16xi32>
    %broadcast_in_dim3A_383 = vector.broadcast %jit3A_381 : i32 to vector<16xi32>
    %select_n3A_384 = arith.select %lt3A_379, %broadcast_in_dim3A_382, %broadcast_in_dim3A_383 : vector<16xi1>, vector<16xi32>
    %slice3A_385 = vector.extract_strided_slice %select_n3A_384 {offsets = [0], sizes = [1], strides = [1]} : vector<16xi32> to vector<1xi32>
    %squeeze3A_386 = vector.extract %slice3A_385[0] : i32 from vector<1xi32>
    %slice3A_387 = vector.extract_strided_slice %select_n3A_384 {offsets = [1], sizes = [1], strides = [1]} : vector<16xi32> to vector<1xi32>
    %squeeze3A_388 = vector.extract %slice3A_387[0] : i32 from vector<1xi32>
    %add3A_389 = arith.addi %squeeze3A_386, %squeeze3A_388 : i32
    %slice3A_390 = vector.extract_strided_slice %select_n3A_384 {offsets = [2], sizes = [1], strides = [1]} : vector<16xi32> to vector<1xi32>
    %squeeze3A_391 = vector.extract %slice3A_390[0] : i32 from vector<1xi32>
    %add3A_392 = arith.addi %add3A_389, %squeeze3A_391 : i32
    %slice3A_393 = vector.extract_strided_slice %select_n3A_384 {offsets = [3], sizes = [1], strides = [1]} : vector<16xi32> to vector<1xi32>
    %squeeze3A_394 = vector.extract %slice3A_393[0] : i32 from vector<1xi32>
    %add3A_395 = arith.addi %add3A_392, %squeeze3A_394 : i32
    %slice3A_396 = vector.extract_strided_slice %select_n3A_384 {offsets = [4], sizes = [1], strides = [1]} : vector<16xi32> to vector<1xi32>
    %squeeze3A_397 = vector.extract %slice3A_396[0] : i32 from vector<1xi32>
    %add3A_398 = arith.addi %add3A_395, %squeeze3A_397 : i32
    %slice3A_399 = vector.extract_strided_slice %select_n3A_384 {offsets = [5], sizes = [1], strides = [1]} : vector<16xi32> to vector<1xi32>
    %squeeze3A_400 = vector.extract %slice3A_399[0] : i32 from vector<1xi32>
    %add3A_401 = arith.addi %add3A_398, %squeeze3A_400 : i32
    %slice3A_402 = vector.extract_strided_slice %select_n3A_384 {offsets = [6], sizes = [1], strides = [1]} : vector<16xi32> to vector<1xi32>
    %squeeze3A_403 = vector.extract %slice3A_402[0] : i32 from vector<1xi32>
    %add3A_404 = arith.addi %add3A_401, %squeeze3A_403 : i32
    %slice3A_405 = vector.extract_strided_slice %select_n3A_384 {offsets = [7], sizes = [1], strides = [1]} : vector<16xi32> to vector<1xi32>
    %squeeze3A_406 = vector.extract %slice3A_405[0] : i32 from vector<1xi32>
    %add3A_407 = arith.addi %add3A_404, %squeeze3A_406 : i32
    %slice3A_408 = vector.extract_strided_slice %select_n3A_384 {offsets = [8], sizes = [1], strides = [1]} : vector<16xi32> to vector<1xi32>
    %squeeze3A_409 = vector.extract %slice3A_408[0] : i32 from vector<1xi32>
    %add3A_410 = arith.addi %add3A_407, %squeeze3A_409 : i32
    %slice3A_411 = vector.extract_strided_slice %select_n3A_384 {offsets = [9], sizes = [1], strides = [1]} : vector<16xi32> to vector<1xi32>
    %squeeze3A_412 = vector.extract %slice3A_411[0] : i32 from vector<1xi32>
    %add3A_413 = arith.addi %add3A_410, %squeeze3A_412 : i32
    %slice3A_414 = vector.extract_strided_slice %select_n3A_384 {offsets = [10], sizes = [1], strides = [1]} : vector<16xi32> to vector<1xi32>
    %squeeze3A_415 = vector.extract %slice3A_414[0] : i32 from vector<1xi32>
    %add3A_416 = arith.addi %add3A_413, %squeeze3A_415 : i32
    %slice3A_417 = vector.extract_strided_slice %select_n3A_384 {offsets = [11], sizes = [1], strides = [1]} : vector<16xi32> to vector<1xi32>
    %squeeze3A_418 = vector.extract %slice3A_417[0] : i32 from vector<1xi32>
    %add3A_419 = arith.addi %add3A_416, %squeeze3A_418 : i32
    %slice3A_420 = vector.extract_strided_slice %select_n3A_384 {offsets = [12], sizes = [1], strides = [1]} : vector<16xi32> to vector<1xi32>
    %squeeze3A_421 = vector.extract %slice3A_420[0] : i32 from vector<1xi32>
    %add3A_422 = arith.addi %add3A_419, %squeeze3A_421 : i32
    %slice3A_423 = vector.extract_strided_slice %select_n3A_384 {offsets = [13], sizes = [1], strides = [1]} : vector<16xi32> to vector<1xi32>
    %squeeze3A_424 = vector.extract %slice3A_423[0] : i32 from vector<1xi32>
    %add3A_425 = arith.addi %add3A_422, %squeeze3A_424 : i32
    %slice3A_426 = vector.extract_strided_slice %select_n3A_384 {offsets = [14], sizes = [1], strides = [1]} : vector<16xi32> to vector<1xi32>
    %squeeze3A_427 = vector.extract %slice3A_426[0] : i32 from vector<1xi32>
    %add3A_428 = arith.addi %add3A_425, %squeeze3A_427 : i32
    %slice3A_429 = vector.extract_strided_slice %select_n3A_384 {offsets = [15], sizes = [1], strides = [1]} : vector<16xi32> to vector<1xi32>
    %squeeze3A_430 = vector.extract %slice3A_429[0] : i32 from vector<1xi32>
    %add3A_431 = arith.addi %add3A_428, %squeeze3A_430 : i32
    %add3A_432 = arith.addi %min3A_361, %add3A_431 : i32
    %min3A_433 = arith.constant 320000 : i32
    %min3A_434 = arith.minsi %add3A_432, %min3A_433 : i32
    %while3A_435 = arith.constant 0 : i32
    %while3A_436 = arith.constant 0 : i32
    %while3A_437 = arith.subi %add3A_24, %while3A_436 : i32
    %while3A_438 = arith.addi %while3A_436, %while3A_437 : i32
    %while3A_439 = arith.constant 1 : i32
    %while3A_440 = arith.divsi %while3A_437, %while3A_439 : i32
    %while3A_441 = arith.muli %while3A_440, %while3A_439 : i32
    %while3A_442 = arith.addi %while3A_436, %while3A_441 : i32
    %while3A_443 = arith.constant 1 : i32
    scf.for %while3A_518 = %while3A_436 to %while3A_442 step %while3A_443  : i32 {
      %dma_wait3A_519 = arith.constant 0 : i32
      %dma_wait3A_520 = tpu.memref_slice %arg6[%while3A_518, %dma_wait3A_519] : memref<79x128xi32, #tpu.memory_space<vmem>> -> memref<1x128xi32, #tpu.memory_space<vmem>>
      %dma_wait3A_521 = tpu.memref_squeeze %dma_wait3A_520 : memref<1x128xi32, #tpu.memory_space<vmem>> -> memref<128xi32, #tpu.memory_space<vmem>>
      %dma_wait3A_522 = arith.constant 0 : i32
      %dma_wait3A_523 = tpu.memref_slice %arg3[%dma_wait3A_522] : memref<320000xi32, #tpu.memory_space<hbm>> -> memref<128xi32, #tpu.memory_space<hbm>>
      %dma_wait3A_524 = arith.constant 0 : i32
      %dma_wait3A_525 = tpu.memref_slice %arg6[%while3A_518, %dma_wait3A_524] : memref<79x128xi32, #tpu.memory_space<vmem>> -> memref<1x128xi32, #tpu.memory_space<vmem>>
      %dma_wait3A_526 = tpu.memref_squeeze %dma_wait3A_525 : memref<1x128xi32, #tpu.memory_space<vmem>> -> memref<128xi32, #tpu.memory_space<vmem>>
      %dma_wait3A_527 = arith.constant 0 : i32
      %dma_wait3A_528 = tpu.memref_slice %arg3[%dma_wait3A_527] : memref<320000xi32, #tpu.memory_space<hbm>> -> memref<128xi32, #tpu.memory_space<hbm>>
      tpu.wait_dma2 semaphore(%arg18 : memref<!tpu.dma_semaphore, #tpu.memory_space<semaphore_mem>>) src(%dma_wait3A_528 : memref<128xi32, #tpu.memory_space<hbm>>) dst(%dma_wait3A_526 : memref<128xi32, #tpu.memory_space<vmem>>)
      %get3A_529 = arith.index_cast %while3A_518 : i32 to index
      %get3A_530 = arith.constant 0 : index
      %get3A_531 = tpu.vector_load %arg6[%get3A_529, %get3A_530] {strides = array<i32>} : memref<79x128xi32, #tpu.memory_space<vmem>>, vector<1x16xi32>,
      %get3A_532 = vector.shape_cast %get3A_531 : vector<1x16xi32> to vector<16xi32>
      %sub3A_533 = vector.broadcast %mul3A_0 : i32 to vector<16xi32>
      %sub3A_534 = arith.subi %get3A_532, %sub3A_533 : vector<16xi32>
      %ge3A = arith.constant 0 : i32
      %ge3A_535 = vector.broadcast %ge3A : i32 to vector<16xi32>
      %ge3A_536 = arith.cmpi sge, %sub3A_534, %ge3A_535 : vector<16xi32>
      %lt3A_537 = arith.constant 5000 : i32
      %lt3A_538 = vector.broadcast %lt3A_537 : i32 to vector<16xi32>
      %lt3A_539 = arith.cmpi slt, %sub3A_534, %lt3A_538 : vector<16xi32>
      %and3A_540 = arith.andi %ge3A_536, %lt3A_539 : vector<16xi1>
      %jit3A_541 = arith.constant 5000 : i32
      %broadcast_in_dim3A_542 = vector.broadcast %jit3A_541 : i32 to vector<16xi32>
      %select_n3A_543 = arith.select %and3A_540, %sub3A_534, %broadcast_in_dim3A_542 : vector<16xi1>, vector<16xi32>
      %swap3A = arith.index_cast %while3A_518 : i32 to index
      %swap3A_544 = arith.constant 0 : index
      %swap3A_545 = tpu.vector_load %arg6[%swap3A, %swap3A_544] {strides = array<i32>} : memref<79x128xi32, #tpu.memory_space<vmem>>, vector<1x16xi32>,
      %swap3A_546 = vector.shape_cast %swap3A_545 : vector<1x16xi32> to vector<16xi32>
      %swap3A_547 = vector.shape_cast %select_n3A_543 : vector<16xi32> to vector<1x16xi32>
      tpu.vector_store %arg6[%swap3A, %swap3A_544], %swap3A_547 {strides = array<i32>} : memref<79x128xi32, #tpu.memory_space<vmem>>, vector<1x16xi32>,
      %get3A_548 = arith.index_cast %while3A_518 : i32 to index
      %get3A_549 = arith.constant 16 : index
      %get3A_550 = tpu.vector_load %arg6[%get3A_548, %get3A_549] {strides = array<i32>} : memref<79x128xi32, #tpu.memory_space<vmem>>, vector<1x16xi32>,
      %get3A_551 = vector.shape_cast %get3A_550 : vector<1x16xi32> to vector<16xi32>
      %sub3A_552 = vector.broadcast %mul3A_0 : i32 to vector<16xi32>
      %sub3A_553 = arith.subi %get3A_551, %sub3A_552 : vector<16xi32>
      %ge3A_554 = arith.constant 0 : i32
      %ge3A_555 = vector.broadcast %ge3A_554 : i32 to vector<16xi32>
      %ge3A_556 = arith.cmpi sge, %sub3A_553, %ge3A_555 : vector<16xi32>
      %lt3A_557 = arith.constant 5000 : i32
      %lt3A_558 = vector.broadcast %lt3A_557 : i32 to vector<16xi32>
      %lt3A_559 = arith.cmpi slt, %sub3A_553, %lt3A_558 : vector<16xi32>
      %and3A_560 = arith.andi %ge3A_556, %lt3A_559 : vector<16xi1>
      %jit3A_561 = arith.constant 5000 : i32
      %broadcast_in_dim3A_562 = vector.broadcast %jit3A_561 : i32 to vector<16xi32>
      %select_n3A_563 = arith.select %and3A_560, %sub3A_553, %broadcast_in_dim3A_562 : vector<16xi1>, vector<16xi32>
      %swap3A_564 = arith.index_cast %while3A_518 : i32 to index
      %swap3A_565 = arith.constant 16 : index
      %swap3A_566 = tpu.vector_load %arg6[%swap3A_564, %swap3A_565] {strides = array<i32>} : memref<79x128xi32, #tpu.memory_space<vmem>>, vector<1x16xi32>,
      %swap3A_567 = vector.shape_cast %swap3A_566 : vector<1x16xi32> to vector<16xi32>
      %swap3A_568 = vector.shape_cast %select_n3A_563 : vector<16xi32> to vector<1x16xi32>
      tpu.vector_store %arg6[%swap3A_564, %swap3A_565], %swap3A_568 {strides = array<i32>} : memref<79x128xi32, #tpu.memory_space<vmem>>, vector<1x16xi32>,
      %get3A_569 = arith.index_cast %while3A_518 : i32 to index
      %get3A_570 = arith.constant 32 : index
      %get3A_571 = tpu.vector_load %arg6[%get3A_569, %get3A_570] {strides = array<i32>} : memref<79x128xi32, #tpu.memory_space<vmem>>, vector<1x16xi32>,
      %get3A_572 = vector.shape_cast %get3A_571 : vector<1x16xi32> to vector<16xi32>
      %sub3A_573 = vector.broadcast %mul3A_0 : i32 to vector<16xi32>
      %sub3A_574 = arith.subi %get3A_572, %sub3A_573 : vector<16xi32>
      %ge3A_575 = arith.constant 0 : i32
      %ge3A_576 = vector.broadcast %ge3A_575 : i32 to vector<16xi32>
      %ge3A_577 = arith.cmpi sge, %sub3A_574, %ge3A_576 : vector<16xi32>
      %lt3A_578 = arith.constant 5000 : i32
      %lt3A_579 = vector.broadcast %lt3A_578 : i32 to vector<16xi32>
      %lt3A_580 = arith.cmpi slt, %sub3A_574, %lt3A_579 : vector<16xi32>
      %and3A_581 = arith.andi %ge3A_577, %lt3A_580 : vector<16xi1>
      %jit3A_582 = arith.constant 5000 : i32
      %broadcast_in_dim3A_583 = vector.broadcast %jit3A_582 : i32 to vector<16xi32>
      %select_n3A_584 = arith.select %and3A_581, %sub3A_574, %broadcast_in_dim3A_583 : vector<16xi1>, vector<16xi32>
      %swap3A_585 = arith.index_cast %while3A_518 : i32 to index
      %swap3A_586 = arith.constant 32 : index
      %swap3A_587 = tpu.vector_load %arg6[%swap3A_585, %swap3A_586] {strides = array<i32>} : memref<79x128xi32, #tpu.memory_space<vmem>>, vector<1x16xi32>,
      %swap3A_588 = vector.shape_cast %swap3A_587 : vector<1x16xi32> to vector<16xi32>
      %swap3A_589 = vector.shape_cast %select_n3A_584 : vector<16xi32> to vector<1x16xi32>
      tpu.vector_store %arg6[%swap3A_585, %swap3A_586], %swap3A_589 {strides = array<i32>} : memref<79x128xi32, #tpu.memory_space<vmem>>, vector<1x16xi32>,
      %get3A_590 = arith.index_cast %while3A_518 : i32 to index
      %get3A_591 = arith.constant 48 : index
      %get3A_592 = tpu.vector_load %arg6[%get3A_590, %get3A_591] {strides = array<i32>} : memref<79x128xi32, #tpu.memory_space<vmem>>, vector<1x16xi32>,
      %get3A_593 = vector.shape_cast %get3A_592 : vector<1x16xi32> to vector<16xi32>
      %sub3A_594 = vector.broadcast %mul3A_0 : i32 to vector<16xi32>
      %sub3A_595 = arith.subi %get3A_593, %sub3A_594 : vector<16xi32>
      %ge3A_596 = arith.constant 0 : i32
      %ge3A_597 = vector.broadcast %ge3A_596 : i32 to vector<16xi32>
      %ge3A_598 = arith.cmpi sge, %sub3A_595, %ge3A_597 : vector<16xi32>
      %lt3A_599 = arith.constant 5000 : i32
      %lt3A_600 = vector.broadcast %lt3A_599 : i32 to vector<16xi32>
      %lt3A_601 = arith.cmpi slt, %sub3A_595, %lt3A_600 : vector<16xi32>
      %and3A_602 = arith.andi %ge3A_598, %lt3A_601 : vector<16xi1>
      %jit3A_603 = arith.constant 5000 : i32
      %broadcast_in_dim3A_604 = vector.broadcast %jit3A_603 : i32 to vector<16xi32>
      %select_n3A_605 = arith.select %and3A_602, %sub3A_595, %broadcast_in_dim3A_604 : vector<16xi1>, vector<16xi32>
      %swap3A_606 = arith.index_cast %while3A_518 : i32 to index
      %swap3A_607 = arith.constant 48 : index
      %swap3A_608 = tpu.vector_load %arg6[%swap3A_606, %swap3A_607] {strides = array<i32>} : memref<79x128xi32, #tpu.memory_space<vmem>>, vector<1x16xi32>,
      %swap3A_609 = vector.shape_cast %swap3A_608 : vector<1x16xi32> to vector<16xi32>
      %swap3A_610 = vector.shape_cast %select_n3A_605 : vector<16xi32> to vector<1x16xi32>
      tpu.vector_store %arg6[%swap3A_606, %swap3A_607], %swap3A_610 {strides = array<i32>} : memref<79x128xi32, #tpu.memory_space<vmem>>, vector<1x16xi32>,
      %get3A_611 = arith.index_cast %while3A_518 : i32 to index
      %get3A_612 = arith.constant 64 : index
      %get3A_613 = tpu.vector_load %arg6[%get3A_611, %get3A_612] {strides = array<i32>} : memref<79x128xi32, #tpu.memory_space<vmem>>, vector<1x16xi32>,
      %get3A_614 = vector.shape_cast %get3A_613 : vector<1x16xi32> to vector<16xi32>
      %sub3A_615 = vector.broadcast %mul3A_0 : i32 to vector<16xi32>
      %sub3A_616 = arith.subi %get3A_614, %sub3A_615 : vector<16xi32>
      %ge3A_617 = arith.constant 0 : i32
      %ge3A_618 = vector.broadcast %ge3A_617 : i32 to vector<16xi32>
      %ge3A_619 = arith.cmpi sge, %sub3A_616, %ge3A_618 : vector<16xi32>
      %lt3A_620 = arith.constant 5000 : i32
      %lt3A_621 = vector.broadcast %lt3A_620 : i32 to vector<16xi32>
      %lt3A_622 = arith.cmpi slt, %sub3A_616, %lt3A_621 : vector<16xi32>
      %and3A_623 = arith.andi %ge3A_619, %lt3A_622 : vector<16xi1>
      %jit3A_624 = arith.constant 5000 : i32
      %broadcast_in_dim3A_625 = vector.broadcast %jit3A_624 : i32 to vector<16xi32>
      %select_n3A_626 = arith.select %and3A_623, %sub3A_616, %broadcast_in_dim3A_625 : vector<16xi1>, vector<16xi32>
      %swap3A_627 = arith.index_cast %while3A_518 : i32 to index
      %swap3A_628 = arith.constant 64 : index
      %swap3A_629 = tpu.vector_load %arg6[%swap3A_627, %swap3A_628] {strides = array<i32>} : memref<79x128xi32, #tpu.memory_space<vmem>>, vector<1x16xi32>,
      %swap3A_630 = vector.shape_cast %swap3A_629 : vector<1x16xi32> to vector<16xi32>
      %swap3A_631 = vector.shape_cast %select_n3A_626 : vector<16xi32> to vector<1x16xi32>
      tpu.vector_store %arg6[%swap3A_627, %swap3A_628], %swap3A_631 {strides = array<i32>} : memref<79x128xi32, #tpu.memory_space<vmem>>, vector<1x16xi32>,
      %get3A_632 = arith.index_cast %while3A_518 : i32 to index
      %get3A_633 = arith.constant 80 : index
      %get3A_634 = tpu.vector_load %arg6[%get3A_632, %get3A_633] {strides = array<i32>} : memref<79x128xi32, #tpu.memory_space<vmem>>, vector<1x16xi32>,
      %get3A_635 = vector.shape_cast %get3A_634 : vector<1x16xi32> to vector<16xi32>
      %sub3A_636 = vector.broadcast %mul3A_0 : i32 to vector<16xi32>
      %sub3A_637 = arith.subi %get3A_635, %sub3A_636 : vector<16xi32>
      %ge3A_638 = arith.constant 0 : i32
      %ge3A_639 = vector.broadcast %ge3A_638 : i32 to vector<16xi32>
      %ge3A_640 = arith.cmpi sge, %sub3A_637, %ge3A_639 : vector<16xi32>
      %lt3A_641 = arith.constant 5000 : i32
      %lt3A_642 = vector.broadcast %lt3A_641 : i32 to vector<16xi32>
      %lt3A_643 = arith.cmpi slt, %sub3A_637, %lt3A_642 : vector<16xi32>
      %and3A_644 = arith.andi %ge3A_640, %lt3A_643 : vector<16xi1>
      %jit3A_645 = arith.constant 5000 : i32
      %broadcast_in_dim3A_646 = vector.broadcast %jit3A_645 : i32 to vector<16xi32>
      %select_n3A_647 = arith.select %and3A_644, %sub3A_637, %broadcast_in_dim3A_646 : vector<16xi1>, vector<16xi32>
      %swap3A_648 = arith.index_cast %while3A_518 : i32 to index
      %swap3A_649 = arith.constant 80 : index
      %swap3A_650 = tpu.vector_load %arg6[%swap3A_648, %swap3A_649] {strides = array<i32>} : memref<79x128xi32, #tpu.memory_space<vmem>>, vector<1x16xi32>,
      %swap3A_651 = vector.shape_cast %swap3A_650 : vector<1x16xi32> to vector<16xi32>
      %swap3A_652 = vector.shape_cast %select_n3A_647 : vector<16xi32> to vector<1x16xi32>
      tpu.vector_store %arg6[%swap3A_648, %swap3A_649], %swap3A_652 {strides = array<i32>} : memref<79x128xi32, #tpu.memory_space<vmem>>, vector<1x16xi32>,
      %get3A_653 = arith.index_cast %while3A_518 : i32 to index
      %get3A_654 = arith.constant 96 : index
      %get3A_655 = tpu.vector_load %arg6[%get3A_653, %get3A_654] {strides = array<i32>} : memref<79x128xi32, #tpu.memory_space<vmem>>, vector<1x16xi32>,
      %get3A_656 = vector.shape_cast %get3A_655 : vector<1x16xi32> to vector<16xi32>
      %sub3A_657 = vector.broadcast %mul3A_0 : i32 to vector<16xi32>
      %sub3A_658 = arith.subi %get3A_656, %sub3A_657 : vector<16xi32>
      %ge3A_659 = arith.constant 0 : i32
      %ge3A_660 = vector.broadcast %ge3A_659 : i32 to vector<16xi32>
      %ge3A_661 = arith.cmpi sge, %sub3A_658, %ge3A_660 : vector<16xi32>
      %lt3A_662 = arith.constant 5000 : i32
      %lt3A_663 = vector.broadcast %lt3A_662 : i32 to vector<16xi32>
      %lt3A_664 = arith.cmpi slt, %sub3A_658, %lt3A_663 : vector<16xi32>
      %and3A_665 = arith.andi %ge3A_661, %lt3A_664 : vector<16xi1>
      %jit3A_666 = arith.constant 5000 : i32
      %broadcast_in_dim3A_667 = vector.broadcast %jit3A_666 : i32 to vector<16xi32>
      %select_n3A_668 = arith.select %and3A_665, %sub3A_658, %broadcast_in_dim3A_667 : vector<16xi1>, vector<16xi32>
      %swap3A_669 = arith.index_cast %while3A_518 : i32 to index
      %swap3A_670 = arith.constant 96 : index
      %swap3A_671 = tpu.vector_load %arg6[%swap3A_669, %swap3A_670] {strides = array<i32>} : memref<79x128xi32, #tpu.memory_space<vmem>>, vector<1x16xi32>,
      %swap3A_672 = vector.shape_cast %swap3A_671 : vector<1x16xi32> to vector<16xi32>
      %swap3A_673 = vector.shape_cast %select_n3A_668 : vector<16xi32> to vector<1x16xi32>
      tpu.vector_store %arg6[%swap3A_669, %swap3A_670], %swap3A_673 {strides = array<i32>} : memref<79x128xi32, #tpu.memory_space<vmem>>, vector<1x16xi32>,
      %get3A_674 = arith.index_cast %while3A_518 : i32 to index
      %get3A_675 = arith.constant 112 : index
      %get3A_676 = tpu.vector_load %arg6[%get3A_674, %get3A_675] {strides = array<i32>} : memref<79x128xi32, #tpu.memory_space<vmem>>, vector<1x16xi32>,
      %get3A_677 = vector.shape_cast %get3A_676 : vector<1x16xi32> to vector<16xi32>
      %sub3A_678 = vector.broadcast %mul3A_0 : i32 to vector<16xi32>
      %sub3A_679 = arith.subi %get3A_677, %sub3A_678 : vector<16xi32>
      %ge3A_680 = arith.constant 0 : i32
      %ge3A_681 = vector.broadcast %ge3A_680 : i32 to vector<16xi32>
      %ge3A_682 = arith.cmpi sge, %sub3A_679, %ge3A_681 : vector<16xi32>
      %lt3A_683 = arith.constant 5000 : i32
      %lt3A_684 = vector.broadcast %lt3A_683 : i32 to vector<16xi32>
      %lt3A_685 = arith.cmpi slt, %sub3A_679, %lt3A_684 : vector<16xi32>
      %and3A_686 = arith.andi %ge3A_682, %lt3A_685 : vector<16xi1>
      %jit3A_687 = arith.constant 5000 : i32
      %broadcast_in_dim3A_688 = vector.broadcast %jit3A_687 : i32 to vector<16xi32>
      %select_n3A_689 = arith.select %and3A_686, %sub3A_679, %broadcast_in_dim3A_688 : vector<16xi1>, vector<16xi32>
      %swap3A_690 = arith.index_cast %while3A_518 : i32 to index
      %swap3A_691 = arith.constant 112 : index
      %swap3A_692 = tpu.vector_load %arg6[%swap3A_690, %swap3A_691] {strides = array<i32>} : memref<79x128xi32, #tpu.memory_space<vmem>>, vector<1x16xi32>,
      %swap3A_693 = vector.shape_cast %swap3A_692 : vector<1x16xi32> to vector<16xi32>
      %swap3A_694 = vector.shape_cast %select_n3A_689 : vector<16xi32> to vector<1x16xi32>
      tpu.vector_store %arg6[%swap3A_690, %swap3A_691], %swap3A_694 {strides = array<i32>} : memref<79x128xi32, #tpu.memory_space<vmem>>, vector<1x16xi32>,
    }
    %while3A_444 = arith.constant 1 : i32
    scf.for %while3A_518 = %while3A_442 to %while3A_438 step %while3A_444  : i32 {
      %dma_wait3A_519 = arith.constant 0 : i32
      %dma_wait3A_520 = tpu.memref_slice %arg6[%while3A_518, %dma_wait3A_519] : memref<79x128xi32, #tpu.memory_space<vmem>> -> memref<1x128xi32, #tpu.memory_space<vmem>>
      %dma_wait3A_521 = tpu.memref_squeeze %dma_wait3A_520 : memref<1x128xi32, #tpu.memory_space<vmem>> -> memref<128xi32, #tpu.memory_space<vmem>>
      %dma_wait3A_522 = arith.constant 0 : i32
      %dma_wait3A_523 = tpu.memref_slice %arg3[%dma_wait3A_522] : memref<320000xi32, #tpu.memory_space<hbm>> -> memref<128xi32, #tpu.memory_space<hbm>>
      %dma_wait3A_524 = arith.constant 0 : i32
      %dma_wait3A_525 = tpu.memref_slice %arg6[%while3A_518, %dma_wait3A_524] : memref<79x128xi32, #tpu.memory_space<vmem>> -> memref<1x128xi32, #tpu.memory_space<vmem>>
      %dma_wait3A_526 = tpu.memref_squeeze %dma_wait3A_525 : memref<1x128xi32, #tpu.memory_space<vmem>> -> memref<128xi32, #tpu.memory_space<vmem>>
      %dma_wait3A_527 = arith.constant 0 : i32
      %dma_wait3A_528 = tpu.memref_slice %arg3[%dma_wait3A_527] : memref<320000xi32, #tpu.memory_space<hbm>> -> memref<128xi32, #tpu.memory_space<hbm>>
      tpu.wait_dma2 semaphore(%arg18 : memref<!tpu.dma_semaphore, #tpu.memory_space<semaphore_mem>>) src(%dma_wait3A_528 : memref<128xi32, #tpu.memory_space<hbm>>) dst(%dma_wait3A_526 : memref<128xi32, #tpu.memory_space<vmem>>)
      %get3A_529 = arith.index_cast %while3A_518 : i32 to index
      %get3A_530 = arith.constant 0 : index
      %get3A_531 = tpu.vector_load %arg6[%get3A_529, %get3A_530] {strides = array<i32>} : memref<79x128xi32, #tpu.memory_space<vmem>>, vector<1x16xi32>,
      %get3A_532 = vector.shape_cast %get3A_531 : vector<1x16xi32> to vector<16xi32>
      %sub3A_533 = vector.broadcast %mul3A_0 : i32 to vector<16xi32>
      %sub3A_534 = arith.subi %get3A_532, %sub3A_533 : vector<16xi32>
      %ge3A = arith.constant 0 : i32
      %ge3A_535 = vector.broadcast %ge3A : i32 to vector<16xi32>
      %ge3A_536 = arith.cmpi sge, %sub3A_534, %ge3A_535 : vector<16xi32>
      %lt3A_537 = arith.constant 5000 : i32
      %lt3A_538 = vector.broadcast %lt3A_537 : i32 to vector<16xi32>
      %lt3A_539 = arith.cmpi slt, %sub3A_534, %lt3A_538 : vector<16xi32>
      %and3A_540 = arith.andi %ge3A_536, %lt3A_539 : vector<16xi1>
      %jit3A_541 = arith.constant 5000 : i32
      %broadcast_in_dim3A_542 = vector.broadcast %jit3A_541 : i32 to vector<16xi32>
      %select_n3A_543 = arith.select %and3A_540, %sub3A_534, %broadcast_in_dim3A_542 : vector<16xi1>, vector<16xi32>
      %swap3A = arith.index_cast %while3A_518 : i32 to index
      %swap3A_544 = arith.constant 0 : index
      %swap3A_545 = tpu.vector_load %arg6[%swap3A, %swap3A_544] {strides = array<i32>} : memref<79x128xi32, #tpu.memory_space<vmem>>, vector<1x16xi32>,
      %swap3A_546 = vector.shape_cast %swap3A_545 : vector<1x16xi32> to vector<16xi32>
      %swap3A_547 = vector.shape_cast %select_n3A_543 : vector<16xi32> to vector<1x16xi32>
      tpu.vector_store %arg6[%swap3A, %swap3A_544], %swap3A_547 {strides = array<i32>} : memref<79x128xi32, #tpu.memory_space<vmem>>, vector<1x16xi32>,
      %get3A_548 = arith.index_cast %while3A_518 : i32 to index
      %get3A_549 = arith.constant 16 : index
      %get3A_550 = tpu.vector_load %arg6[%get3A_548, %get3A_549] {strides = array<i32>} : memref<79x128xi32, #tpu.memory_space<vmem>>, vector<1x16xi32>,
      %get3A_551 = vector.shape_cast %get3A_550 : vector<1x16xi32> to vector<16xi32>
      %sub3A_552 = vector.broadcast %mul3A_0 : i32 to vector<16xi32>
      %sub3A_553 = arith.subi %get3A_551, %sub3A_552 : vector<16xi32>
      %ge3A_554 = arith.constant 0 : i32
      %ge3A_555 = vector.broadcast %ge3A_554 : i32 to vector<16xi32>
      %ge3A_556 = arith.cmpi sge, %sub3A_553, %ge3A_555 : vector<16xi32>
      %lt3A_557 = arith.constant 5000 : i32
      %lt3A_558 = vector.broadcast %lt3A_557 : i32 to vector<16xi32>
      %lt3A_559 = arith.cmpi slt, %sub3A_553, %lt3A_558 : vector<16xi32>
      %and3A_560 = arith.andi %ge3A_556, %lt3A_559 : vector<16xi1>
      %jit3A_561 = arith.constant 5000 : i32
      %broadcast_in_dim3A_562 = vector.broadcast %jit3A_561 : i32 to vector<16xi32>
      %select_n3A_563 = arith.select %and3A_560, %sub3A_553, %broadcast_in_dim3A_562 : vector<16xi1>, vector<16xi32>
      %swap3A_564 = arith.index_cast %while3A_518 : i32 to index
      %swap3A_565 = arith.constant 16 : index
      %swap3A_566 = tpu.vector_load %arg6[%swap3A_564, %swap3A_565] {strides = array<i32>} : memref<79x128xi32, #tpu.memory_space<vmem>>, vector<1x16xi32>,
      %swap3A_567 = vector.shape_cast %swap3A_566 : vector<1x16xi32> to vector<16xi32>
      %swap3A_568 = vector.shape_cast %select_n3A_563 : vector<16xi32> to vector<1x16xi32>
      tpu.vector_store %arg6[%swap3A_564, %swap3A_565], %swap3A_568 {strides = array<i32>} : memref<79x128xi32, #tpu.memory_space<vmem>>, vector<1x16xi32>,
      %get3A_569 = arith.index_cast %while3A_518 : i32 to index
      %get3A_570 = arith.constant 32 : index
      %get3A_571 = tpu.vector_load %arg6[%get3A_569, %get3A_570] {strides = array<i32>} : memref<79x128xi32, #tpu.memory_space<vmem>>, vector<1x16xi32>,
      %get3A_572 = vector.shape_cast %get3A_571 : vector<1x16xi32> to vector<16xi32>
      %sub3A_573 = vector.broadcast %mul3A_0 : i32 to vector<16xi32>
      %sub3A_574 = arith.subi %get3A_572, %sub3A_573 : vector<16xi32>
      %ge3A_575 = arith.constant 0 : i32
      %ge3A_576 = vector.broadcast %ge3A_575 : i32 to vector<16xi32>
      %ge3A_577 = arith.cmpi sge, %sub3A_574, %ge3A_576 : vector<16xi32>
      %lt3A_578 = arith.constant 5000 : i32
      %lt3A_579 = vector.broadcast %lt3A_578 : i32 to vector<16xi32>
      %lt3A_580 = arith.cmpi slt, %sub3A_574, %lt3A_579 : vector<16xi32>
      %and3A_581 = arith.andi %ge3A_577, %lt3A_580 : vector<16xi1>
      %jit3A_582 = arith.constant 5000 : i32
      %broadcast_in_dim3A_583 = vector.broadcast %jit3A_582 : i32 to vector<16xi32>
      %select_n3A_584 = arith.select %and3A_581, %sub3A_574, %broadcast_in_dim3A_583 : vector<16xi1>, vector<16xi32>
      %swap3A_585 = arith.index_cast %while3A_518 : i32 to index
      %swap3A_586 = arith.constant 32 : index
      %swap3A_587 = tpu.vector_load %arg6[%swap3A_585, %swap3A_586] {strides = array<i32>} : memref<79x128xi32, #tpu.memory_space<vmem>>, vector<1x16xi32>,
      %swap3A_588 = vector.shape_cast %swap3A_587 : vector<1x16xi32> to vector<16xi32>
      %swap3A_589 = vector.shape_cast %select_n3A_584 : vector<16xi32> to vector<1x16xi32>
      tpu.vector_store %arg6[%swap3A_585, %swap3A_586], %swap3A_589 {strides = array<i32>} : memref<79x128xi32, #tpu.memory_space<vmem>>, vector<1x16xi32>,
      %get3A_590 = arith.index_cast %while3A_518 : i32 to index
      %get3A_591 = arith.constant 48 : index
      %get3A_592 = tpu.vector_load %arg6[%get3A_590, %get3A_591] {strides = array<i32>} : memref<79x128xi32, #tpu.memory_space<vmem>>, vector<1x16xi32>,
      %get3A_593 = vector.shape_cast %get3A_592 : vector<1x16xi32> to vector<16xi32>
      %sub3A_594 = vector.broadcast %mul3A_0 : i32 to vector<16xi32>
      %sub3A_595 = arith.subi %get3A_593, %sub3A_594 : vector<16xi32>
      %ge3A_596 = arith.constant 0 : i32
      %ge3A_597 = vector.broadcast %ge3A_596 : i32 to vector<16xi32>
      %ge3A_598 = arith.cmpi sge, %sub3A_595, %ge3A_597 : vector<16xi32>
      %lt3A_599 = arith.constant 5000 : i32
      %lt3A_600 = vector.broadcast %lt3A_599 : i32 to vector<16xi32>
      %lt3A_601 = arith.cmpi slt, %sub3A_595, %lt3A_600 : vector<16xi32>
      %and3A_602 = arith.andi %ge3A_598, %lt3A_601 : vector<16xi1>
      %jit3A_603 = arith.constant 5000 : i32
      %broadcast_in_dim3A_604 = vector.broadcast %jit3A_603 : i32 to vector<16xi32>
      %select_n3A_605 = arith.select %and3A_602, %sub3A_595, %broadcast_in_dim3A_604 : vector<16xi1>, vector<16xi32>
      %swap3A_606 = arith.index_cast %while3A_518 : i32 to index
      %swap3A_607 = arith.constant 48 : index
      %swap3A_608 = tpu.vector_load %arg6[%swap3A_606, %swap3A_607] {strides = array<i32>} : memref<79x128xi32, #tpu.memory_space<vmem>>, vector<1x16xi32>,
      %swap3A_609 = vector.shape_cast %swap3A_608 : vector<1x16xi32> to vector<16xi32>
      %swap3A_610 = vector.shape_cast %select_n3A_605 : vector<16xi32> to vector<1x16xi32>
      tpu.vector_store %arg6[%swap3A_606, %swap3A_607], %swap3A_610 {strides = array<i32>} : memref<79x128xi32, #tpu.memory_space<vmem>>, vector<1x16xi32>,
      %get3A_611 = arith.index_cast %while3A_518 : i32 to index
      %get3A_612 = arith.constant 64 : index
      %get3A_613 = tpu.vector_load %arg6[%get3A_611, %get3A_612] {strides = array<i32>} : memref<79x128xi32, #tpu.memory_space<vmem>>, vector<1x16xi32>,
      %get3A_614 = vector.shape_cast %get3A_613 : vector<1x16xi32> to vector<16xi32>
      %sub3A_615 = vector.broadcast %mul3A_0 : i32 to vector<16xi32>
      %sub3A_616 = arith.subi %get3A_614, %sub3A_615 : vector<16xi32>
      %ge3A_617 = arith.constant 0 : i32
      %ge3A_618 = vector.broadcast %ge3A_617 : i32 to vector<16xi32>
      %ge3A_619 = arith.cmpi sge, %sub3A_616, %ge3A_618 : vector<16xi32>
      %lt3A_620 = arith.constant 5000 : i32
      %lt3A_621 = vector.broadcast %lt3A_620 : i32 to vector<16xi32>
      %lt3A_622 = arith.cmpi slt, %sub3A_616, %lt3A_621 : vector<16xi32>
      %and3A_623 = arith.andi %ge3A_619, %lt3A_622 : vector<16xi1>
      %jit3A_624 = arith.constant 5000 : i32
      %broadcast_in_dim3A_625 = vector.broadcast %jit3A_624 : i32 to vector<16xi32>
      %select_n3A_626 = arith.select %and3A_623, %sub3A_616, %broadcast_in_dim3A_625 : vector<16xi1>, vector<16xi32>
      %swap3A_627 = arith.index_cast %while3A_518 : i32 to index
      %swap3A_628 = arith.constant 64 : index
      %swap3A_629 = tpu.vector_load %arg6[%swap3A_627, %swap3A_628] {strides = array<i32>} : memref<79x128xi32, #tpu.memory_space<vmem>>, vector<1x16xi32>,
      %swap3A_630 = vector.shape_cast %swap3A_629 : vector<1x16xi32> to vector<16xi32>
      %swap3A_631 = vector.shape_cast %select_n3A_626 : vector<16xi32> to vector<1x16xi32>
      tpu.vector_store %arg6[%swap3A_627, %swap3A_628], %swap3A_631 {strides = array<i32>} : memref<79x128xi32, #tpu.memory_space<vmem>>, vector<1x16xi32>,
      %get3A_632 = arith.index_cast %while3A_518 : i32 to index
      %get3A_633 = arith.constant 80 : index
      %get3A_634 = tpu.vector_load %arg6[%get3A_632, %get3A_633] {strides = array<i32>} : memref<79x128xi32, #tpu.memory_space<vmem>>, vector<1x16xi32>,
      %get3A_635 = vector.shape_cast %get3A_634 : vector<1x16xi32> to vector<16xi32>
      %sub3A_636 = vector.broadcast %mul3A_0 : i32 to vector<16xi32>
      %sub3A_637 = arith.subi %get3A_635, %sub3A_636 : vector<16xi32>
      %ge3A_638 = arith.constant 0 : i32
      %ge3A_639 = vector.broadcast %ge3A_638 : i32 to vector<16xi32>
      %ge3A_640 = arith.cmpi sge, %sub3A_637, %ge3A_639 : vector<16xi32>
      %lt3A_641 = arith.constant 5000 : i32
      %lt3A_642 = vector.broadcast %lt3A_641 : i32 to vector<16xi32>
      %lt3A_643 = arith.cmpi slt, %sub3A_637, %lt3A_642 : vector<16xi32>
      %and3A_644 = arith.andi %ge3A_640, %lt3A_643 : vector<16xi1>
      %jit3A_645 = arith.constant 5000 : i32
      %broadcast_in_dim3A_646 = vector.broadcast %jit3A_645 : i32 to vector<16xi32>
      %select_n3A_647 = arith.select %and3A_644, %sub3A_637, %broadcast_in_dim3A_646 : vector<16xi1>, vector<16xi32>
      %swap3A_648 = arith.index_cast %while3A_518 : i32 to index
      %swap3A_649 = arith.constant 80 : index
      %swap3A_650 = tpu.vector_load %arg6[%swap3A_648, %swap3A_649] {strides = array<i32>} : memref<79x128xi32, #tpu.memory_space<vmem>>, vector<1x16xi32>,
      %swap3A_651 = vector.shape_cast %swap3A_650 : vector<1x16xi32> to vector<16xi32>
      %swap3A_652 = vector.shape_cast %select_n3A_647 : vector<16xi32> to vector<1x16xi32>
      tpu.vector_store %arg6[%swap3A_648, %swap3A_649], %swap3A_652 {strides = array<i32>} : memref<79x128xi32, #tpu.memory_space<vmem>>, vector<1x16xi32>,
      %get3A_653 = arith.index_cast %while3A_518 : i32 to index
      %get3A_654 = arith.constant 96 : index
      %get3A_655 = tpu.vector_load %arg6[%get3A_653, %get3A_654] {strides = array<i32>} : memref<79x128xi32, #tpu.memory_space<vmem>>, vector<1x16xi32>,
      %get3A_656 = vector.shape_cast %get3A_655 : vector<1x16xi32> to vector<16xi32>
      %sub3A_657 = vector.broadcast %mul3A_0 : i32 to vector<16xi32>
      %sub3A_658 = arith.subi %get3A_656, %sub3A_657 : vector<16xi32>
      %ge3A_659 = arith.constant 0 : i32
      %ge3A_660 = vector.broadcast %ge3A_659 : i32 to vector<16xi32>
      %ge3A_661 = arith.cmpi sge, %sub3A_658, %ge3A_660 : vector<16xi32>
      %lt3A_662 = arith.constant 5000 : i32
      %lt3A_663 = vector.broadcast %lt3A_662 : i32 to vector<16xi32>
      %lt3A_664 = arith.cmpi slt, %sub3A_658, %lt3A_663 : vector<16xi32>
      %and3A_665 = arith.andi %ge3A_661, %lt3A_664 : vector<16xi1>
      %jit3A_666 = arith.constant 5000 : i32
      %broadcast_in_dim3A_667 = vector.broadcast %jit3A_666 : i32 to vector<16xi32>
      %select_n3A_668 = arith.select %and3A_665, %sub3A_658, %broadcast_in_dim3A_667 : vector<16xi1>, vector<16xi32>
      %swap3A_669 = arith.index_cast %while3A_518 : i32 to index
      %swap3A_670 = arith.constant 96 : index
      %swap3A_671 = tpu.vector_load %arg6[%swap3A_669, %swap3A_670] {strides = array<i32>} : memref<79x128xi32, #tpu.memory_space<vmem>>, vector<1x16xi32>,
      %swap3A_672 = vector.shape_cast %swap3A_671 : vector<1x16xi32> to vector<16xi32>
      %swap3A_673 = vector.shape_cast %select_n3A_668 : vector<16xi32> to vector<1x16xi32>
      tpu.vector_store %arg6[%swap3A_669, %swap3A_670], %swap3A_673 {strides = array<i32>} : memref<79x128xi32, #tpu.memory_space<vmem>>, vector<1x16xi32>,
      %get3A_674 = arith.index_cast %while3A_518 : i32 to index
      %get3A_675 = arith.constant 112 : index
      %get3A_676 = tpu.vector_load %arg6[%get3A_674, %get3A_675] {strides = array<i32>} : memref<79x128xi32, #tpu.memory_space<vmem>>, vector<1x16xi32>,
      %get3A_677 = vector.shape_cast %get3A_676 : vector<1x16xi32> to vector<16xi32>
      %sub3A_678 = vector.broadcast %mul3A_0 : i32 to vector<16xi32>
      %sub3A_679 = arith.subi %get3A_677, %sub3A_678 : vector<16xi32>
      %ge3A_680 = arith.constant 0 : i32
      %ge3A_681 = vector.broadcast %ge3A_680 : i32 to vector<16xi32>
      %ge3A_682 = arith.cmpi sge, %sub3A_679, %ge3A_681 : vector<16xi32>
      %lt3A_683 = arith.constant 5000 : i32
      %lt3A_684 = vector.broadcast %lt3A_683 : i32 to vector<16xi32>
      %lt3A_685 = arith.cmpi slt, %sub3A_679, %lt3A_684 : vector<16xi32>
      %and3A_686 = arith.andi %ge3A_682, %lt3A_685 : vector<16xi1>
      %jit3A_687 = arith.constant 5000 : i32
      %broadcast_in_dim3A_688 = vector.broadcast %jit3A_687 : i32 to vector<16xi32>
      %select_n3A_689 = arith.select %and3A_686, %sub3A_679, %broadcast_in_dim3A_688 : vector<16xi1>, vector<16xi32>
      %swap3A_690 = arith.index_cast %while3A_518 : i32 to index
      %swap3A_691 = arith.constant 112 : index
      %swap3A_692 = tpu.vector_load %arg6[%swap3A_690, %swap3A_691] {strides = array<i32>} : memref<79x128xi32, #tpu.memory_space<vmem>>, vector<1x16xi32>,
      %swap3A_693 = vector.shape_cast %swap3A_692 : vector<1x16xi32> to vector<16xi32>
      %swap3A_694 = vector.shape_cast %select_n3A_689 : vector<16xi32> to vector<1x16xi32>
      tpu.vector_store %arg6[%swap3A_690, %swap3A_691], %swap3A_694 {strides = array<i32>} : memref<79x128xi32, #tpu.memory_space<vmem>>, vector<1x16xi32>,
    }
    %scan3A_445 = arith.constant 0 : i32
    %scan3A_446 = arith.constant 0 : i32
    %scan3A_447 = arith.constant 8 : i32
    %scan3A_448 = arith.addi %scan3A_446, %scan3A_447 : i32
    %scan3A_449 = arith.constant 1 : i32
    scf.for %scan3A_518 = %scan3A_446 to %scan3A_448 step %scan3A_449  : i32 {
      %mul3A_519 = arith.constant 16 : i32
      %mul3A_520 = arith.muli %scan3A_518, %mul3A_519 : i32
      %add3A_521 = arith.addi %arg1, %mul3A_520 : i32
      %lt3A_522 = arith.constant 125 : i32
      %lt3A_523 = arith.cmpi slt, %add3A_521, %lt3A_522 : i32
      %convert_element_type3A_524 = arith.extui %lt3A_523 : i1 to i32
      %cond3A_525 = arith.constant 0 : i32
      %cond3A_526 = arith.cmpi ne, %convert_element_type3A_524, %cond3A_525 : i32
      scf.if %cond3A_526 {
        %mul3A_527 = arith.constant 40 : i32
        %mul3A_528 = arith.muli %add3A_521, %mul3A_527 : i32
        %dma_wait3A_529 = arith.constant 0 : i32
        %dma_wait3A_530 = tpu.memref_slice %arg12[%mul3A_528, %dma_wait3A_529] : memref<5008x128xf32, #tpu.memory_space<vmem_shared>> -> memref<40x128xf32, #tpu.memory_space<vmem_shared>>
        %dma_wait3A_531 = arith.constant 0 : i32
        %dma_wait3A_532 = tpu.memref_slice %arg12[%mul3A_528, %dma_wait3A_531] : memref<5008x128xf32, #tpu.memory_space<vmem_shared>> -> memref<40x128xf32, #tpu.memory_space<vmem_shared>>
        tpu.wait_dma2 semaphore(%arg17 : memref<!tpu.dma_semaphore, #tpu.memory_space<semaphore_mem>>) src(%arg11 : memref<40x128xf32, #tpu.memory_space<vmem>>) dst(%dma_wait3A_532 : memref<40x128xf32, #tpu.memory_space<vmem_shared>>)
      } else {
      }
    }
    %scan3A_450 = arith.constant 8 : i32
    %barrier3A = arith.constant 0 : index
    tpu.barrier barrier_id(%barrier3A)
    %scan3A_451 = arith.constant 0 : i32
    %scan3A_452 = arith.constant 0 : i32
    %scan3A_453 = arith.constant 20 : i32
    %scan3A_454 = arith.addi %scan3A_452, %scan3A_453 : i32
    %scan3A_455 = arith.constant 1 : i32
    scf.for %scan3A_518 = %scan3A_452 to %scan3A_454 step %scan3A_455  : i32 {
      %mul3A_519 = arith.constant 4 : i32
      %mul3A_520 = arith.muli %scan3A_518, %mul3A_519 : i32
      %add3A_521 = arith.constant 0 : i32
      %add3A_522 = arith.addi %mul3A_520, %add3A_521 : i32
      %lt3A_523 = arith.cmpi slt, %add3A_522, %add3A_24 : i32
      %convert_element_type3A_524 = arith.extui %lt3A_523 : i1 to i32
      %cond3A_525 = arith.constant 0 : i32
      %cond3A_526 = arith.cmpi ne, %convert_element_type3A_524, %cond3A_525 : i32
      scf.if %cond3A_526 {
        %dma_wait3A_551 = arith.constant 0 : i32
        %dma_wait3A_552 = arith.constant 0 : i32
        %dma_wait3A_553 = arith.constant 0 : i32
        %dma_wait3A_554 = tpu.memref_slice %arg5[%dma_wait3A_551, %dma_wait3A_552, %dma_wait3A_553] : memref<4x128x128xf32, #tpu.memory_space<vmem>> -> memref<1x128x128xf32, #tpu.memory_space<vmem>>
        %dma_wait3A_555 = tpu.memref_squeeze %dma_wait3A_554 : memref<1x128x128xf32, #tpu.memory_space<vmem>> -> memref<128x128xf32, #tpu.memory_space<vmem>>
        %dma_wait3A_556 = arith.constant 0 : i32
        %dma_wait3A_557 = arith.constant 0 : i32
        %dma_wait3A_558 = tpu.memref_slice %arg2[%dma_wait3A_556, %dma_wait3A_557] : memref<320000x128xf32, #tpu.memory_space<hbm>> -> memref<128x128xf32, #tpu.memory_space<hbm>>
        %dma_wait3A_559 = arith.constant 0 : i32
        %dma_wait3A_560 = arith.constant 0 : i32
        %dma_wait3A_561 = tpu.memref_slice %arg5[%dma_wait3A_551, %dma_wait3A_559, %dma_wait3A_560] : memref<4x128x128xf32, #tpu.memory_space<vmem>> -> memref<1x128x128xf32, #tpu.memory_space<vmem>>
        %dma_wait3A_562 = tpu.memref_squeeze %dma_wait3A_561 : memref<1x128x128xf32, #tpu.memory_space<vmem>> -> memref<128x128xf32, #tpu.memory_space<vmem>>
        %dma_wait3A_563 = arith.constant 0 : i32
        %dma_wait3A_564 = arith.constant 0 : i32
        %dma_wait3A_565 = tpu.memref_slice %arg2[%dma_wait3A_563, %dma_wait3A_564] : memref<320000x128xf32, #tpu.memory_space<hbm>> -> memref<128x128xf32, #tpu.memory_space<hbm>>
        tpu.wait_dma2 semaphore(%arg13 : memref<!tpu.dma_semaphore, #tpu.memory_space<semaphore_mem>>) src(%dma_wait3A_565 : memref<128x128xf32, #tpu.memory_space<hbm>>) dst(%dma_wait3A_562 : memref<128x128xf32, #tpu.memory_space<vmem>>)
        %run_scoped3A = arith.constant 0 : i32
        "tpu.region"() ({
          %run_scoped3A_572 = tpu.sem_alloc : memref<!tpu.dma_semaphore, #tpu.memory_space<semaphore_mem>>
          %dma_start3A_573 = arith.constant 0 : i32
          %dma_start3A_574 = arith.constant 0 : i32
          %dma_start3A_575 = tpu.memref_slice %arg5[%run_scoped3A, %dma_start3A_573, %dma_start3A_574] : memref<4x128x128xf32, #tpu.memory_space<vmem>> -> memref<1x128x128xf32, #tpu.memory_space<vmem>>
          %dma_start3A_576 = tpu.memref_squeeze %dma_start3A_575 : memref<1x128x128xf32, #tpu.memory_space<vmem>> -> memref<128x128xf32, #tpu.memory_space<vmem>>
          %dma_start3A_577 = arith.constant 0 : i32
          %dma_start3A_578 = tpu.memref_slice %arg6[%add3A_522, %dma_start3A_577] : memref<79x128xi32, #tpu.memory_space<vmem>> -> memref<1x128xi32, #tpu.memory_space<vmem>>
          %dma_start3A_579 = tpu.memref_squeeze %dma_start3A_578 : memref<1x128xi32, #tpu.memory_space<vmem>> -> memref<128xi32, #tpu.memory_space<vmem>>
          %dma_start3A_580 = arith.constant 0 : i32
          %dma_start3A_581 = arith.constant 0 : i32
          %dma_start3A_582 = tpu.memref_slice %arg12[%dma_start3A_580, %dma_start3A_581] : memref<5008x128xf32, #tpu.memory_space<vmem_shared>> -> memref<5008x128xf32, #tpu.memory_space<vmem_shared>>
          tpu.enqueue_indirect_dma source(%dma_start3A_576 : memref<128x128xf32, #tpu.memory_space<vmem>>) target(%dma_start3A_582 : memref<5008x128xf32, #tpu.memory_space<vmem_shared>>) offsets(%dma_start3A_579 : memref<128xi32, #tpu.memory_space<vmem>>) semaphore(%run_scoped3A_572 : memref<!tpu.dma_semaphore, #tpu.memory_space<semaphore_mem>>) {add = true}
          %dma_wait3A_583 = arith.constant 0 : i32
          %dma_wait3A_584 = arith.constant 0 : i32
          %dma_wait3A_585 = tpu.memref_slice %arg5[%run_scoped3A, %dma_wait3A_583, %dma_wait3A_584] : memref<4x128x128xf32, #tpu.memory_space<vmem>> -> memref<1x128x128xf32, #tpu.memory_space<vmem>>
          %dma_wait3A_586 = tpu.memref_squeeze %dma_wait3A_585 : memref<1x128x128xf32, #tpu.memory_space<vmem>> -> memref<128x128xf32, #tpu.memory_space<vmem>>
          %dma_wait3A_587 = arith.constant 0 : i32
          %dma_wait3A_588 = tpu.memref_slice %arg6[%add3A_522, %dma_wait3A_587] : memref<79x128xi32, #tpu.memory_space<vmem>> -> memref<1x128xi32, #tpu.memory_space<vmem>>
          %dma_wait3A_589 = tpu.memref_squeeze %dma_wait3A_588 : memref<1x128xi32, #tpu.memory_space<vmem>> -> memref<128xi32, #tpu.memory_space<vmem>>
          %dma_wait3A_590 = arith.constant 0 : i32
          %dma_wait3A_591 = arith.constant 0 : i32
          %dma_wait3A_592 = tpu.memref_slice %arg12[%dma_wait3A_590, %dma_wait3A_591] : memref<5008x128xf32, #tpu.memory_space<vmem_shared>> -> memref<5008x128xf32, #tpu.memory_space<vmem_shared>>
          tpu.wait_indirect_dma semaphore(%run_scoped3A_572 : memref<!tpu.dma_semaphore, #tpu.memory_space<semaphore_mem>>) src(%dma_wait3A_586 : memref<128x128xf32, #tpu.memory_space<vmem>>) dst(%dma_wait3A_592 : memref<5008x128xf32, #tpu.memory_space<vmem_shared>>)
          tpu.yield
        }) : () -> ()
        %add3A_566 = arith.constant 4 : i32
        %add3A_567 = arith.addi %add3A_522, %add3A_566 : i32
        %lt3A_568 = arith.cmpi slt, %add3A_567, %add3A_24 : i32
        %convert_element_type3A_569 = arith.extui %lt3A_568 : i1 to i32
        %cond3A_570 = arith.constant 0 : i32
        %cond3A_571 = arith.cmpi ne, %convert_element_type3A_569, %cond3A_570 : i32
        scf.if %cond3A_571 {
          %add3A_572 = arith.constant 4 : i32
          %add3A_573 = arith.addi %add3A_522, %add3A_572 : i32
          %mul3A_574 = arith.constant 128 : i32
          %mul3A_575 = arith.muli %add3A_573, %mul3A_574 : i32
          %add3A_576 = arith.addi %multiple_of3A, %mul3A_575 : i32
          %multiple_of3A_577 = tpu.assume_multiple %add3A_576, 16 : i32
          %dma_start3A_578 = arith.constant 0 : i32
          %dma_start3A_579 = arith.constant 0 : i32
          %dma_start3A_580 = arith.constant 0 : i32
          %dma_start3A_581 = tpu.memref_slice %arg5[%dma_start3A_578, %dma_start3A_579, %dma_start3A_580] : memref<4x128x128xf32, #tpu.memory_space<vmem>> -> memref<1x128x128xf32, #tpu.memory_space<vmem>>
          %dma_start3A_582 = tpu.memref_squeeze %dma_start3A_581 : memref<1x128x128xf32, #tpu.memory_space<vmem>> -> memref<128x128xf32, #tpu.memory_space<vmem>>
          %dma_start3A_583 = arith.constant 0 : i32
          %dma_start3A_584 = tpu.memref_slice %arg2[%multiple_of3A_577, %dma_start3A_583] : memref<320000x128xf32, #tpu.memory_space<hbm>> -> memref<128x128xf32, #tpu.memory_space<hbm>>
          %dma_start3A_585 = arith.constant 0 : i32
          %dma_start3A_586 = arith.constant 0 : i32
          %dma_start3A_587 = tpu.memref_slice %arg5[%dma_start3A_578, %dma_start3A_585, %dma_start3A_586] : memref<4x128x128xf32, #tpu.memory_space<vmem>> -> memref<1x128x128xf32, #tpu.memory_space<vmem>>
          %dma_start3A_588 = tpu.memref_squeeze %dma_start3A_587 : memref<1x128x128xf32, #tpu.memory_space<vmem>> -> memref<128x128xf32, #tpu.memory_space<vmem>>
          %dma_start3A_589 = arith.constant 0 : i32
          %dma_start3A_590 = tpu.memref_slice %arg2[%multiple_of3A_577, %dma_start3A_589] : memref<320000x128xf32, #tpu.memory_space<hbm>> -> memref<128x128xf32, #tpu.memory_space<hbm>>
          tpu.enqueue_dma source(%dma_start3A_590 : memref<128x128xf32, #tpu.memory_space<hbm>>) target(%dma_start3A_588 : memref<128x128xf32, #tpu.memory_space<vmem>>) target_semaphore(%arg13 : memref<!tpu.dma_semaphore, #tpu.memory_space<semaphore_mem>>)
        } else {
        }
      } else {
      }
      %mul3A_527 = arith.constant 4 : i32
      %mul3A_528 = arith.muli %scan3A_518, %mul3A_527 : i32
      %add3A_529 = arith.constant 1 : i32
      %add3A_530 = arith.addi %mul3A_528, %add3A_529 : i32
      %lt3A_531 = arith.cmpi slt, %add3A_530, %add3A_24 : i32
      %convert_element_type3A_532 = arith.extui %lt3A_531 : i1 to i32
      %cond3A_533 = arith.constant 0 : i32
      %cond3A_534 = arith.cmpi ne, %convert_element_type3A_532, %cond3A_533 : i32
      scf.if %cond3A_534 {
        %dma_wait3A_551 = arith.constant 1 : i32
        %dma_wait3A_552 = arith.constant 0 : i32
        %dma_wait3A_553 = arith.constant 0 : i32
        %dma_wait3A_554 = tpu.memref_slice %arg5[%dma_wait3A_551, %dma_wait3A_552, %dma_wait3A_553] : memref<4x128x128xf32, #tpu.memory_space<vmem>> -> memref<1x128x128xf32, #tpu.memory_space<vmem>>
        %dma_wait3A_555 = tpu.memref_squeeze %dma_wait3A_554 : memref<1x128x128xf32, #tpu.memory_space<vmem>> -> memref<128x128xf32, #tpu.memory_space<vmem>>
        %dma_wait3A_556 = arith.constant 0 : i32
        %dma_wait3A_557 = arith.constant 0 : i32
        %dma_wait3A_558 = tpu.memref_slice %arg2[%dma_wait3A_556, %dma_wait3A_557] : memref<320000x128xf32, #tpu.memory_space<hbm>> -> memref<128x128xf32, #tpu.memory_space<hbm>>
        %dma_wait3A_559 = arith.constant 0 : i32
        %dma_wait3A_560 = arith.constant 0 : i32
        %dma_wait3A_561 = tpu.memref_slice %arg5[%dma_wait3A_551, %dma_wait3A_559, %dma_wait3A_560] : memref<4x128x128xf32, #tpu.memory_space<vmem>> -> memref<1x128x128xf32, #tpu.memory_space<vmem>>
        %dma_wait3A_562 = tpu.memref_squeeze %dma_wait3A_561 : memref<1x128x128xf32, #tpu.memory_space<vmem>> -> memref<128x128xf32, #tpu.memory_space<vmem>>
        %dma_wait3A_563 = arith.constant 0 : i32
        %dma_wait3A_564 = arith.constant 0 : i32
        %dma_wait3A_565 = tpu.memref_slice %arg2[%dma_wait3A_563, %dma_wait3A_564] : memref<320000x128xf32, #tpu.memory_space<hbm>> -> memref<128x128xf32, #tpu.memory_space<hbm>>
        tpu.wait_dma2 semaphore(%arg14 : memref<!tpu.dma_semaphore, #tpu.memory_space<semaphore_mem>>) src(%dma_wait3A_565 : memref<128x128xf32, #tpu.memory_space<hbm>>) dst(%dma_wait3A_562 : memref<128x128xf32, #tpu.memory_space<vmem>>)
        %run_scoped3A = arith.constant 1 : i32
        "tpu.region"() ({
          %run_scoped3A_572 = tpu.sem_alloc : memref<!tpu.dma_semaphore, #tpu.memory_space<semaphore_mem>>
          %dma_start3A_573 = arith.constant 0 : i32
          %dma_start3A_574 = arith.constant 0 : i32
          %dma_start3A_575 = tpu.memref_slice %arg5[%run_scoped3A, %dma_start3A_573, %dma_start3A_574] : memref<4x128x128xf32, #tpu.memory_space<vmem>> -> memref<1x128x128xf32, #tpu.memory_space<vmem>>
          %dma_start3A_576 = tpu.memref_squeeze %dma_start3A_575 : memref<1x128x128xf32, #tpu.memory_space<vmem>> -> memref<128x128xf32, #tpu.memory_space<vmem>>
          %dma_start3A_577 = arith.constant 0 : i32
          %dma_start3A_578 = tpu.memref_slice %arg6[%add3A_530, %dma_start3A_577] : memref<79x128xi32, #tpu.memory_space<vmem>> -> memref<1x128xi32, #tpu.memory_space<vmem>>
          %dma_start3A_579 = tpu.memref_squeeze %dma_start3A_578 : memref<1x128xi32, #tpu.memory_space<vmem>> -> memref<128xi32, #tpu.memory_space<vmem>>
          %dma_start3A_580 = arith.constant 0 : i32
          %dma_start3A_581 = arith.constant 0 : i32
          %dma_start3A_582 = tpu.memref_slice %arg12[%dma_start3A_580, %dma_start3A_581] : memref<5008x128xf32, #tpu.memory_space<vmem_shared>> -> memref<5008x128xf32, #tpu.memory_space<vmem_shared>>
          tpu.enqueue_indirect_dma source(%dma_start3A_576 : memref<128x128xf32, #tpu.memory_space<vmem>>) target(%dma_start3A_582 : memref<5008x128xf32, #tpu.memory_space<vmem_shared>>) offsets(%dma_start3A_579 : memref<128xi32, #tpu.memory_space<vmem>>) semaphore(%run_scoped3A_572 : memref<!tpu.dma_semaphore, #tpu.memory_space<semaphore_mem>>) {add = true}
          %dma_wait3A_583 = arith.constant 0 : i32
          %dma_wait3A_584 = arith.constant 0 : i32
          %dma_wait3A_585 = tpu.memref_slice %arg5[%run_scoped3A, %dma_wait3A_583, %dma_wait3A_584] : memref<4x128x128xf32, #tpu.memory_space<vmem>> -> memref<1x128x128xf32, #tpu.memory_space<vmem>>
          %dma_wait3A_586 = tpu.memref_squeeze %dma_wait3A_585 : memref<1x128x128xf32, #tpu.memory_space<vmem>> -> memref<128x128xf32, #tpu.memory_space<vmem>>
          %dma_wait3A_587 = arith.constant 0 : i32
          %dma_wait3A_588 = tpu.memref_slice %arg6[%add3A_530, %dma_wait3A_587] : memref<79x128xi32, #tpu.memory_space<vmem>> -> memref<1x128xi32, #tpu.memory_space<vmem>>
          %dma_wait3A_589 = tpu.memref_squeeze %dma_wait3A_588 : memref<1x128xi32, #tpu.memory_space<vmem>> -> memref<128xi32, #tpu.memory_space<vmem>>
          %dma_wait3A_590 = arith.constant 0 : i32
          %dma_wait3A_591 = arith.constant 0 : i32
          %dma_wait3A_592 = tpu.memref_slice %arg12[%dma_wait3A_590, %dma_wait3A_591] : memref<5008x128xf32, #tpu.memory_space<vmem_shared>> -> memref<5008x128xf32, #tpu.memory_space<vmem_shared>>
          tpu.wait_indirect_dma semaphore(%run_scoped3A_572 : memref<!tpu.dma_semaphore, #tpu.memory_space<semaphore_mem>>) src(%dma_wait3A_586 : memref<128x128xf32, #tpu.memory_space<vmem>>) dst(%dma_wait3A_592 : memref<5008x128xf32, #tpu.memory_space<vmem_shared>>)
          tpu.yield
        }) : () -> ()
        %add3A_566 = arith.constant 4 : i32
        %add3A_567 = arith.addi %add3A_530, %add3A_566 : i32
        %lt3A_568 = arith.cmpi slt, %add3A_567, %add3A_24 : i32
        %convert_element_type3A_569 = arith.extui %lt3A_568 : i1 to i32
        %cond3A_570 = arith.constant 0 : i32
        %cond3A_571 = arith.cmpi ne, %convert_element_type3A_569, %cond3A_570 : i32
        scf.if %cond3A_571 {
          %add3A_572 = arith.constant 4 : i32
          %add3A_573 = arith.addi %add3A_530, %add3A_572 : i32
          %mul3A_574 = arith.constant 128 : i32
          %mul3A_575 = arith.muli %add3A_573, %mul3A_574 : i32
          %add3A_576 = arith.addi %multiple_of3A, %mul3A_575 : i32
          %multiple_of3A_577 = tpu.assume_multiple %add3A_576, 16 : i32
          %dma_start3A_578 = arith.constant 1 : i32
          %dma_start3A_579 = arith.constant 0 : i32
          %dma_start3A_580 = arith.constant 0 : i32
          %dma_start3A_581 = tpu.memref_slice %arg5[%dma_start3A_578, %dma_start3A_579, %dma_start3A_580] : memref<4x128x128xf32, #tpu.memory_space<vmem>> -> memref<1x128x128xf32, #tpu.memory_space<vmem>>
          %dma_start3A_582 = tpu.memref_squeeze %dma_start3A_581 : memref<1x128x128xf32, #tpu.memory_space<vmem>> -> memref<128x128xf32, #tpu.memory_space<vmem>>
          %dma_start3A_583 = arith.constant 0 : i32
          %dma_start3A_584 = tpu.memref_slice %arg2[%multiple_of3A_577, %dma_start3A_583] : memref<320000x128xf32, #tpu.memory_space<hbm>> -> memref<128x128xf32, #tpu.memory_space<hbm>>
          %dma_start3A_585 = arith.constant 0 : i32
          %dma_start3A_586 = arith.constant 0 : i32
          %dma_start3A_587 = tpu.memref_slice %arg5[%dma_start3A_578, %dma_start3A_585, %dma_start3A_586] : memref<4x128x128xf32, #tpu.memory_space<vmem>> -> memref<1x128x128xf32, #tpu.memory_space<vmem>>
          %dma_start3A_588 = tpu.memref_squeeze %dma_start3A_587 : memref<1x128x128xf32, #tpu.memory_space<vmem>> -> memref<128x128xf32, #tpu.memory_space<vmem>>
          %dma_start3A_589 = arith.constant 0 : i32
          %dma_start3A_590 = tpu.memref_slice %arg2[%multiple_of3A_577, %dma_start3A_589] : memref<320000x128xf32, #tpu.memory_space<hbm>> -> memref<128x128xf32, #tpu.memory_space<hbm>>
          tpu.enqueue_dma source(%dma_start3A_590 : memref<128x128xf32, #tpu.memory_space<hbm>>) target(%dma_start3A_588 : memref<128x128xf32, #tpu.memory_space<vmem>>) target_semaphore(%arg14 : memref<!tpu.dma_semaphore, #tpu.memory_space<semaphore_mem>>)
        } else {
        }
      } else {
      }
      %mul3A_535 = arith.constant 4 : i32
      %mul3A_536 = arith.muli %scan3A_518, %mul3A_535 : i32
      %add3A_537 = arith.constant 2 : i32
      %add3A_538 = arith.addi %mul3A_536, %add3A_537 : i32
      %lt3A_539 = arith.cmpi slt, %add3A_538, %add3A_24 : i32
      %convert_element_type3A_540 = arith.extui %lt3A_539 : i1 to i32
      %cond3A_541 = arith.constant 0 : i32
      %cond3A_542 = arith.cmpi ne, %convert_element_type3A_540, %cond3A_541 : i32
      scf.if %cond3A_542 {
        %dma_wait3A_551 = arith.constant 2 : i32
        %dma_wait3A_552 = arith.constant 0 : i32
        %dma_wait3A_553 = arith.constant 0 : i32
        %dma_wait3A_554 = tpu.memref_slice %arg5[%dma_wait3A_551, %dma_wait3A_552, %dma_wait3A_553] : memref<4x128x128xf32, #tpu.memory_space<vmem>> -> memref<1x128x128xf32, #tpu.memory_space<vmem>>
        %dma_wait3A_555 = tpu.memref_squeeze %dma_wait3A_554 : memref<1x128x128xf32, #tpu.memory_space<vmem>> -> memref<128x128xf32, #tpu.memory_space<vmem>>
        %dma_wait3A_556 = arith.constant 0 : i32
        %dma_wait3A_557 = arith.constant 0 : i32
        %dma_wait3A_558 = tpu.memref_slice %arg2[%dma_wait3A_556, %dma_wait3A_557] : memref<320000x128xf32, #tpu.memory_space<hbm>> -> memref<128x128xf32, #tpu.memory_space<hbm>>
        %dma_wait3A_559 = arith.constant 0 : i32
        %dma_wait3A_560 = arith.constant 0 : i32
        %dma_wait3A_561 = tpu.memref_slice %arg5[%dma_wait3A_551, %dma_wait3A_559, %dma_wait3A_560] : memref<4x128x128xf32, #tpu.memory_space<vmem>> -> memref<1x128x128xf32, #tpu.memory_space<vmem>>
        %dma_wait3A_562 = tpu.memref_squeeze %dma_wait3A_561 : memref<1x128x128xf32, #tpu.memory_space<vmem>> -> memref<128x128xf32, #tpu.memory_space<vmem>>
        %dma_wait3A_563 = arith.constant 0 : i32
        %dma_wait3A_564 = arith.constant 0 : i32
        %dma_wait3A_565 = tpu.memref_slice %arg2[%dma_wait3A_563, %dma_wait3A_564] : memref<320000x128xf32, #tpu.memory_space<hbm>> -> memref<128x128xf32, #tpu.memory_space<hbm>>
        tpu.wait_dma2 semaphore(%arg15 : memref<!tpu.dma_semaphore, #tpu.memory_space<semaphore_mem>>) src(%dma_wait3A_565 : memref<128x128xf32, #tpu.memory_space<hbm>>) dst(%dma_wait3A_562 : memref<128x128xf32, #tpu.memory_space<vmem>>)
        %run_scoped3A = arith.constant 2 : i32
        "tpu.region"() ({
          %run_scoped3A_572 = tpu.sem_alloc : memref<!tpu.dma_semaphore, #tpu.memory_space<semaphore_mem>>
          %dma_start3A_573 = arith.constant 0 : i32
          %dma_start3A_574 = arith.constant 0 : i32
          %dma_start3A_575 = tpu.memref_slice %arg5[%run_scoped3A, %dma_start3A_573, %dma_start3A_574] : memref<4x128x128xf32, #tpu.memory_space<vmem>> -> memref<1x128x128xf32, #tpu.memory_space<vmem>>
          %dma_start3A_576 = tpu.memref_squeeze %dma_start3A_575 : memref<1x128x128xf32, #tpu.memory_space<vmem>> -> memref<128x128xf32, #tpu.memory_space<vmem>>
          %dma_start3A_577 = arith.constant 0 : i32
          %dma_start3A_578 = tpu.memref_slice %arg6[%add3A_538, %dma_start3A_577] : memref<79x128xi32, #tpu.memory_space<vmem>> -> memref<1x128xi32, #tpu.memory_space<vmem>>
          %dma_start3A_579 = tpu.memref_squeeze %dma_start3A_578 : memref<1x128xi32, #tpu.memory_space<vmem>> -> memref<128xi32, #tpu.memory_space<vmem>>
          %dma_start3A_580 = arith.constant 0 : i32
          %dma_start3A_581 = arith.constant 0 : i32
          %dma_start3A_582 = tpu.memref_slice %arg12[%dma_start3A_580, %dma_start3A_581] : memref<5008x128xf32, #tpu.memory_space<vmem_shared>> -> memref<5008x128xf32, #tpu.memory_space<vmem_shared>>
          tpu.enqueue_indirect_dma source(%dma_start3A_576 : memref<128x128xf32, #tpu.memory_space<vmem>>) target(%dma_start3A_582 : memref<5008x128xf32, #tpu.memory_space<vmem_shared>>) offsets(%dma_start3A_579 : memref<128xi32, #tpu.memory_space<vmem>>) semaphore(%run_scoped3A_572 : memref<!tpu.dma_semaphore, #tpu.memory_space<semaphore_mem>>) {add = true}
          %dma_wait3A_583 = arith.constant 0 : i32
          %dma_wait3A_584 = arith.constant 0 : i32
          %dma_wait3A_585 = tpu.memref_slice %arg5[%run_scoped3A, %dma_wait3A_583, %dma_wait3A_584] : memref<4x128x128xf32, #tpu.memory_space<vmem>> -> memref<1x128x128xf32, #tpu.memory_space<vmem>>
          %dma_wait3A_586 = tpu.memref_squeeze %dma_wait3A_585 : memref<1x128x128xf32, #tpu.memory_space<vmem>> -> memref<128x128xf32, #tpu.memory_space<vmem>>
          %dma_wait3A_587 = arith.constant 0 : i32
          %dma_wait3A_588 = tpu.memref_slice %arg6[%add3A_538, %dma_wait3A_587] : memref<79x128xi32, #tpu.memory_space<vmem>> -> memref<1x128xi32, #tpu.memory_space<vmem>>
          %dma_wait3A_589 = tpu.memref_squeeze %dma_wait3A_588 : memref<1x128xi32, #tpu.memory_space<vmem>> -> memref<128xi32, #tpu.memory_space<vmem>>
          %dma_wait3A_590 = arith.constant 0 : i32
          %dma_wait3A_591 = arith.constant 0 : i32
          %dma_wait3A_592 = tpu.memref_slice %arg12[%dma_wait3A_590, %dma_wait3A_591] : memref<5008x128xf32, #tpu.memory_space<vmem_shared>> -> memref<5008x128xf32, #tpu.memory_space<vmem_shared>>
          tpu.wait_indirect_dma semaphore(%run_scoped3A_572 : memref<!tpu.dma_semaphore, #tpu.memory_space<semaphore_mem>>) src(%dma_wait3A_586 : memref<128x128xf32, #tpu.memory_space<vmem>>) dst(%dma_wait3A_592 : memref<5008x128xf32, #tpu.memory_space<vmem_shared>>)
          tpu.yield
        }) : () -> ()
        %add3A_566 = arith.constant 4 : i32
        %add3A_567 = arith.addi %add3A_538, %add3A_566 : i32
        %lt3A_568 = arith.cmpi slt, %add3A_567, %add3A_24 : i32
        %convert_element_type3A_569 = arith.extui %lt3A_568 : i1 to i32
        %cond3A_570 = arith.constant 0 : i32
        %cond3A_571 = arith.cmpi ne, %convert_element_type3A_569, %cond3A_570 : i32
        scf.if %cond3A_571 {
          %add3A_572 = arith.constant 4 : i32
          %add3A_573 = arith.addi %add3A_538, %add3A_572 : i32
          %mul3A_574 = arith.constant 128 : i32
          %mul3A_575 = arith.muli %add3A_573, %mul3A_574 : i32
          %add3A_576 = arith.addi %multiple_of3A, %mul3A_575 : i32
          %multiple_of3A_577 = tpu.assume_multiple %add3A_576, 16 : i32
          %dma_start3A_578 = arith.constant 2 : i32
          %dma_start3A_579 = arith.constant 0 : i32
          %dma_start3A_580 = arith.constant 0 : i32
          %dma_start3A_581 = tpu.memref_slice %arg5[%dma_start3A_578, %dma_start3A_579, %dma_start3A_580] : memref<4x128x128xf32, #tpu.memory_space<vmem>> -> memref<1x128x128xf32, #tpu.memory_space<vmem>>
          %dma_start3A_582 = tpu.memref_squeeze %dma_start3A_581 : memref<1x128x128xf32, #tpu.memory_space<vmem>> -> memref<128x128xf32, #tpu.memory_space<vmem>>
          %dma_start3A_583 = arith.constant 0 : i32
          %dma_start3A_584 = tpu.memref_slice %arg2[%multiple_of3A_577, %dma_start3A_583] : memref<320000x128xf32, #tpu.memory_space<hbm>> -> memref<128x128xf32, #tpu.memory_space<hbm>>
          %dma_start3A_585 = arith.constant 0 : i32
          %dma_start3A_586 = arith.constant 0 : i32
          %dma_start3A_587 = tpu.memref_slice %arg5[%dma_start3A_578, %dma_start3A_585, %dma_start3A_586] : memref<4x128x128xf32, #tpu.memory_space<vmem>> -> memref<1x128x128xf32, #tpu.memory_space<vmem>>
          %dma_start3A_588 = tpu.memref_squeeze %dma_start3A_587 : memref<1x128x128xf32, #tpu.memory_space<vmem>> -> memref<128x128xf32, #tpu.memory_space<vmem>>
          %dma_start3A_589 = arith.constant 0 : i32
          %dma_start3A_590 = tpu.memref_slice %arg2[%multiple_of3A_577, %dma_start3A_589] : memref<320000x128xf32, #tpu.memory_space<hbm>> -> memref<128x128xf32, #tpu.memory_space<hbm>>
          tpu.enqueue_dma source(%dma_start3A_590 : memref<128x128xf32, #tpu.memory_space<hbm>>) target(%dma_start3A_588 : memref<128x128xf32, #tpu.memory_space<vmem>>) target_semaphore(%arg15 : memref<!tpu.dma_semaphore, #tpu.memory_space<semaphore_mem>>)
        } else {
        }
      } else {
      }
      %mul3A_543 = arith.constant 4 : i32
      %mul3A_544 = arith.muli %scan3A_518, %mul3A_543 : i32
      %add3A_545 = arith.constant 3 : i32
      %add3A_546 = arith.addi %mul3A_544, %add3A_545 : i32
      %lt3A_547 = arith.cmpi slt, %add3A_546, %add3A_24 : i32
      %convert_element_type3A_548 = arith.extui %lt3A_547 : i1 to i32
      %cond3A_549 = arith.constant 0 : i32
      %cond3A_550 = arith.cmpi ne, %convert_element_type3A_548, %cond3A_549 : i32
      scf.if %cond3A_550 {
        %dma_wait3A_551 = arith.constant 3 : i32
        %dma_wait3A_552 = arith.constant 0 : i32
        %dma_wait3A_553 = arith.constant 0 : i32
        %dma_wait3A_554 = tpu.memref_slice %arg5[%dma_wait3A_551, %dma_wait3A_552, %dma_wait3A_553] : memref<4x128x128xf32, #tpu.memory_space<vmem>> -> memref<1x128x128xf32, #tpu.memory_space<vmem>>
        %dma_wait3A_555 = tpu.memref_squeeze %dma_wait3A_554 : memref<1x128x128xf32, #tpu.memory_space<vmem>> -> memref<128x128xf32, #tpu.memory_space<vmem>>
        %dma_wait3A_556 = arith.constant 0 : i32
        %dma_wait3A_557 = arith.constant 0 : i32
        %dma_wait3A_558 = tpu.memref_slice %arg2[%dma_wait3A_556, %dma_wait3A_557] : memref<320000x128xf32, #tpu.memory_space<hbm>> -> memref<128x128xf32, #tpu.memory_space<hbm>>
        %dma_wait3A_559 = arith.constant 0 : i32
        %dma_wait3A_560 = arith.constant 0 : i32
        %dma_wait3A_561 = tpu.memref_slice %arg5[%dma_wait3A_551, %dma_wait3A_559, %dma_wait3A_560] : memref<4x128x128xf32, #tpu.memory_space<vmem>> -> memref<1x128x128xf32, #tpu.memory_space<vmem>>
        %dma_wait3A_562 = tpu.memref_squeeze %dma_wait3A_561 : memref<1x128x128xf32, #tpu.memory_space<vmem>> -> memref<128x128xf32, #tpu.memory_space<vmem>>
        %dma_wait3A_563 = arith.constant 0 : i32
        %dma_wait3A_564 = arith.constant 0 : i32
        %dma_wait3A_565 = tpu.memref_slice %arg2[%dma_wait3A_563, %dma_wait3A_564] : memref<320000x128xf32, #tpu.memory_space<hbm>> -> memref<128x128xf32, #tpu.memory_space<hbm>>
        tpu.wait_dma2 semaphore(%arg16 : memref<!tpu.dma_semaphore, #tpu.memory_space<semaphore_mem>>) src(%dma_wait3A_565 : memref<128x128xf32, #tpu.memory_space<hbm>>) dst(%dma_wait3A_562 : memref<128x128xf32, #tpu.memory_space<vmem>>)
        %run_scoped3A = arith.constant 3 : i32
        "tpu.region"() ({
          %run_scoped3A_572 = tpu.sem_alloc : memref<!tpu.dma_semaphore, #tpu.memory_space<semaphore_mem>>
          %dma_start3A_573 = arith.constant 0 : i32
          %dma_start3A_574 = arith.constant 0 : i32
          %dma_start3A_575 = tpu.memref_slice %arg5[%run_scoped3A, %dma_start3A_573, %dma_start3A_574] : memref<4x128x128xf32, #tpu.memory_space<vmem>> -> memref<1x128x128xf32, #tpu.memory_space<vmem>>
          %dma_start3A_576 = tpu.memref_squeeze %dma_start3A_575 : memref<1x128x128xf32, #tpu.memory_space<vmem>> -> memref<128x128xf32, #tpu.memory_space<vmem>>
          %dma_start3A_577 = arith.constant 0 : i32
          %dma_start3A_578 = tpu.memref_slice %arg6[%add3A_546, %dma_start3A_577] : memref<79x128xi32, #tpu.memory_space<vmem>> -> memref<1x128xi32, #tpu.memory_space<vmem>>
          %dma_start3A_579 = tpu.memref_squeeze %dma_start3A_578 : memref<1x128xi32, #tpu.memory_space<vmem>> -> memref<128xi32, #tpu.memory_space<vmem>>
          %dma_start3A_580 = arith.constant 0 : i32
          %dma_start3A_581 = arith.constant 0 : i32
          %dma_start3A_582 = tpu.memref_slice %arg12[%dma_start3A_580, %dma_start3A_581] : memref<5008x128xf32, #tpu.memory_space<vmem_shared>> -> memref<5008x128xf32, #tpu.memory_space<vmem_shared>>
          tpu.enqueue_indirect_dma source(%dma_start3A_576 : memref<128x128xf32, #tpu.memory_space<vmem>>) target(%dma_start3A_582 : memref<5008x128xf32, #tpu.memory_space<vmem_shared>>) offsets(%dma_start3A_579 : memref<128xi32, #tpu.memory_space<vmem>>) semaphore(%run_scoped3A_572 : memref<!tpu.dma_semaphore, #tpu.memory_space<semaphore_mem>>) {add = true}
          %dma_wait3A_583 = arith.constant 0 : i32
          %dma_wait3A_584 = arith.constant 0 : i32
          %dma_wait3A_585 = tpu.memref_slice %arg5[%run_scoped3A, %dma_wait3A_583, %dma_wait3A_584] : memref<4x128x128xf32, #tpu.memory_space<vmem>> -> memref<1x128x128xf32, #tpu.memory_space<vmem>>
          %dma_wait3A_586 = tpu.memref_squeeze %dma_wait3A_585 : memref<1x128x128xf32, #tpu.memory_space<vmem>> -> memref<128x128xf32, #tpu.memory_space<vmem>>
          %dma_wait3A_587 = arith.constant 0 : i32
          %dma_wait3A_588 = tpu.memref_slice %arg6[%add3A_546, %dma_wait3A_587] : memref<79x128xi32, #tpu.memory_space<vmem>> -> memref<1x128xi32, #tpu.memory_space<vmem>>
          %dma_wait3A_589 = tpu.memref_squeeze %dma_wait3A_588 : memref<1x128xi32, #tpu.memory_space<vmem>> -> memref<128xi32, #tpu.memory_space<vmem>>
          %dma_wait3A_590 = arith.constant 0 : i32
          %dma_wait3A_591 = arith.constant 0 : i32
          %dma_wait3A_592 = tpu.memref_slice %arg12[%dma_wait3A_590, %dma_wait3A_591] : memref<5008x128xf32, #tpu.memory_space<vmem_shared>> -> memref<5008x128xf32, #tpu.memory_space<vmem_shared>>
          tpu.wait_indirect_dma semaphore(%run_scoped3A_572 : memref<!tpu.dma_semaphore, #tpu.memory_space<semaphore_mem>>) src(%dma_wait3A_586 : memref<128x128xf32, #tpu.memory_space<vmem>>) dst(%dma_wait3A_592 : memref<5008x128xf32, #tpu.memory_space<vmem_shared>>)
          tpu.yield
        }) : () -> ()
        %add3A_566 = arith.constant 4 : i32
        %add3A_567 = arith.addi %add3A_546, %add3A_566 : i32
        %lt3A_568 = arith.cmpi slt, %add3A_567, %add3A_24 : i32
        %convert_element_type3A_569 = arith.extui %lt3A_568 : i1 to i32
        %cond3A_570 = arith.constant 0 : i32
        %cond3A_571 = arith.cmpi ne, %convert_element_type3A_569, %cond3A_570 : i32
        scf.if %cond3A_571 {
          %add3A_572 = arith.constant 4 : i32
          %add3A_573 = arith.addi %add3A_546, %add3A_572 : i32
          %mul3A_574 = arith.constant 128 : i32
          %mul3A_575 = arith.muli %add3A_573, %mul3A_574 : i32
          %add3A_576 = arith.addi %multiple_of3A, %mul3A_575 : i32
          %multiple_of3A_577 = tpu.assume_multiple %add3A_576, 16 : i32
          %dma_start3A_578 = arith.constant 3 : i32
          %dma_start3A_579 = arith.constant 0 : i32
          %dma_start3A_580 = arith.constant 0 : i32
          %dma_start3A_581 = tpu.memref_slice %arg5[%dma_start3A_578, %dma_start3A_579, %dma_start3A_580] : memref<4x128x128xf32, #tpu.memory_space<vmem>> -> memref<1x128x128xf32, #tpu.memory_space<vmem>>
          %dma_start3A_582 = tpu.memref_squeeze %dma_start3A_581 : memref<1x128x128xf32, #tpu.memory_space<vmem>> -> memref<128x128xf32, #tpu.memory_space<vmem>>
          %dma_start3A_583 = arith.constant 0 : i32
          %dma_start3A_584 = tpu.memref_slice %arg2[%multiple_of3A_577, %dma_start3A_583] : memref<320000x128xf32, #tpu.memory_space<hbm>> -> memref<128x128xf32, #tpu.memory_space<hbm>>
          %dma_start3A_585 = arith.constant 0 : i32
          %dma_start3A_586 = arith.constant 0 : i32
          %dma_start3A_587 = tpu.memref_slice %arg5[%dma_start3A_578, %dma_start3A_585, %dma_start3A_586] : memref<4x128x128xf32, #tpu.memory_space<vmem>> -> memref<1x128x128xf32, #tpu.memory_space<vmem>>
          %dma_start3A_588 = tpu.memref_squeeze %dma_start3A_587 : memref<1x128x128xf32, #tpu.memory_space<vmem>> -> memref<128x128xf32, #tpu.memory_space<vmem>>
          %dma_start3A_589 = arith.constant 0 : i32
          %dma_start3A_590 = tpu.memref_slice %arg2[%multiple_of3A_577, %dma_start3A_589] : memref<320000x128xf32, #tpu.memory_space<hbm>> -> memref<128x128xf32, #tpu.memory_space<hbm>>
          tpu.enqueue_dma source(%dma_start3A_590 : memref<128x128xf32, #tpu.memory_space<hbm>>) target(%dma_start3A_588 : memref<128x128xf32, #tpu.memory_space<vmem>>) target_semaphore(%arg16 : memref<!tpu.dma_semaphore, #tpu.memory_space<semaphore_mem>>)
        } else {
        }
      } else {
      }
    }
    %scan3A_456 = arith.constant 20 : i32
    %add3A_457 = arith.constant 15 : i32
    %add3A_458 = arith.addi %min3A_434, %add3A_457 : i32
    %and3A = arith.constant -16 : i32
    %and3A_459 = arith.andi %add3A_458, %and3A : i32
    %and3A_460 = arith.constant -16 : i32
    %and3A_461 = arith.andi %min3A_434, %and3A_460 : i32
    %eq3A = arith.constant 0 : i32
    %eq3A_462 = arith.cmpi eq, %arg0, %eq3A : i32
    %min3A_463 = arith.constant 160000 : i32
    %min3A_464 = arith.minsi %and3A_461, %min3A_463 : i32
    %jit3A_465 = arith.constant 160000 : i32
    %select_n3A_466 = arith.select %eq3A_462, %jit3A_465, %min3A_464 : i32
    %eq3A_467 = arith.constant 0 : i32
    %eq3A_468 = arith.cmpi eq, %arg0, %eq3A_467 : i32
    %max3A_469 = arith.constant 160000 : i32
    %max3A_470 = arith.maxsi %and3A_459, %max3A_469 : i32
    %jit3A_471 = arith.constant 160000 : i32
    %select_n3A_472 = arith.select %eq3A_468, %max3A_470, %jit3A_471 : i32
    %sub3A_473 = arith.subi %select_n3A_472, %select_n3A_466 : i32
    %shift_right_arithmetic3A = arith.constant 8 : i32
    %shift_right_arithmetic3A_474 = arith.shrsi %sub3A_473, %shift_right_arithmetic3A : i32
    %shift_left3A = arith.constant 4 : i32
    %shift_left3A_475 = arith.shli %shift_right_arithmetic3A_474, %shift_left3A : i32
    %shift_left3A_476 = arith.constant 4 : i32
    %shift_left3A_477 = arith.shli %shift_left3A_475, %shift_left3A_476 : i32
    %sub3A_478 = arith.subi %sub3A_473, %shift_left3A_477 : i32
    %shift_right_arithmetic3A_479 = arith.constant 4 : i32
    %shift_right_arithmetic3A_480 = arith.shrsi %sub3A_478, %shift_right_arithmetic3A_479 : i32
    %mul3A_481 = arith.muli %arg1, %shift_left3A_475 : i32
    %add3A_482 = arith.addi %select_n3A_466, %mul3A_481 : i32
    %min3A_483 = arith.minsi %arg1, %shift_right_arithmetic3A_480 : i32
    %mul3A_484 = arith.constant 16 : i32
    %mul3A_485 = arith.muli %min3A_483, %mul3A_484 : i32
    %add3A_486 = arith.addi %add3A_482, %mul3A_485 : i32
    %multiple_of3A_487 = tpu.assume_multiple %add3A_486, 16 : i32
    %lt3A_488 = arith.cmpi slt, %arg1, %shift_right_arithmetic3A_480 : i32
    %jit3A_489 = arith.constant 16 : i32
    %jit3A_490 = arith.constant 0 : i32
    %select_n3A_491 = arith.select %lt3A_488, %jit3A_489, %jit3A_490 : i32
    %add3A_492 = arith.addi %shift_left3A_475, %select_n3A_491 : i32
    %shift_right_arithmetic3A_493 = arith.constant 4 : i32
    %shift_right_arithmetic3A_494 = arith.shrsi %add3A_492, %shift_right_arithmetic3A_493 : i32
    %while3A_495 = arith.constant 0 : i32
    %while3A_496 = arith.constant 0 : i32
    %while3A_497 = arith.subi %shift_right_arithmetic3A_494, %while3A_496 : i32
    %while3A_498 = arith.addi %while3A_496, %while3A_497 : i32
    %while3A_499 = arith.constant 1 : i32
    %while3A_500 = arith.divsi %while3A_497, %while3A_499 : i32
    %while3A_501 = arith.muli %while3A_500, %while3A_499 : i32
    %while3A_502 = arith.addi %while3A_496, %while3A_501 : i32
    %while3A_503 = arith.constant 1 : i32
    scf.for %while3A_518 = %while3A_496 to %while3A_502 step %while3A_503  : i32 {
      %mul3A_519 = arith.constant 16 : i32
      %mul3A_520 = arith.muli %while3A_518, %mul3A_519 : i32
      %add3A_521 = arith.addi %multiple_of3A_487, %mul3A_520 : i32
      %multiple_of3A_522 = tpu.assume_multiple %add3A_521, 16 : i32
      "tpu.region"() ({
        %run_scoped3A = tpu.sem_alloc : memref<!tpu.dma_semaphore, #tpu.memory_space<semaphore_mem>>
        %dma_start3A_540 = arith.constant 0 : i32
        %dma_start3A_541 = tpu.memref_slice %arg2[%multiple_of3A_522, %dma_start3A_540] : memref<320000x128xf32, #tpu.memory_space<hbm>> -> memref<16x128xf32, #tpu.memory_space<hbm>>
        %dma_start3A_542 = arith.constant 0 : i32
        %dma_start3A_543 = tpu.memref_slice %arg2[%multiple_of3A_522, %dma_start3A_542] : memref<320000x128xf32, #tpu.memory_space<hbm>> -> memref<16x128xf32, #tpu.memory_space<hbm>>
        tpu.enqueue_dma source(%dma_start3A_543 : memref<16x128xf32, #tpu.memory_space<hbm>>) target(%arg7 : memref<16x128xf32, #tpu.memory_space<vmem>>) target_semaphore(%run_scoped3A : memref<!tpu.dma_semaphore, #tpu.memory_space<semaphore_mem>>)
        %dma_wait3A_544 = arith.constant 0 : i32
        %dma_wait3A_545 = tpu.memref_slice %arg2[%multiple_of3A_522, %dma_wait3A_544] : memref<320000x128xf32, #tpu.memory_space<hbm>> -> memref<16x128xf32, #tpu.memory_space<hbm>>
        %dma_wait3A_546 = arith.constant 0 : i32
        %dma_wait3A_547 = tpu.memref_slice %arg2[%multiple_of3A_522, %dma_wait3A_546] : memref<320000x128xf32, #tpu.memory_space<hbm>> -> memref<16x128xf32, #tpu.memory_space<hbm>>
        tpu.wait_dma2 semaphore(%run_scoped3A : memref<!tpu.dma_semaphore, #tpu.memory_space<semaphore_mem>>) src(%dma_wait3A_547 : memref<16x128xf32, #tpu.memory_space<hbm>>) dst(%arg7 : memref<16x128xf32, #tpu.memory_space<vmem>>)
        tpu.yield
      }) : () -> ()
      "tpu.region"() ({
        %run_scoped3A = tpu.sem_alloc : memref<!tpu.dma_semaphore, #tpu.memory_space<semaphore_mem>>
        %dma_start3A_540 = tpu.memref_slice %arg3[%multiple_of3A_522] : memref<320000xi32, #tpu.memory_space<hbm>> -> memref<16xi32, #tpu.memory_space<hbm>>
        %dma_start3A_541 = tpu.memref_slice %arg3[%multiple_of3A_522] : memref<320000xi32, #tpu.memory_space<hbm>> -> memref<16xi32, #tpu.memory_space<hbm>>
        tpu.enqueue_dma source(%dma_start3A_541 : memref<16xi32, #tpu.memory_space<hbm>>) target(%arg8 : memref<16xi32, #tpu.memory_space<vmem>>) target_semaphore(%run_scoped3A : memref<!tpu.dma_semaphore, #tpu.memory_space<semaphore_mem>>)
        %dma_wait3A_542 = tpu.memref_slice %arg3[%multiple_of3A_522] : memref<320000xi32, #tpu.memory_space<hbm>> -> memref<16xi32, #tpu.memory_space<hbm>>
        %dma_wait3A_543 = tpu.memref_slice %arg3[%multiple_of3A_522] : memref<320000xi32, #tpu.memory_space<hbm>> -> memref<16xi32, #tpu.memory_space<hbm>>
        tpu.wait_dma2 semaphore(%run_scoped3A : memref<!tpu.dma_semaphore, #tpu.memory_space<semaphore_mem>>) src(%dma_wait3A_543 : memref<16xi32, #tpu.memory_space<hbm>>) dst(%arg8 : memref<16xi32, #tpu.memory_space<vmem>>)
        tpu.yield
      }) : () -> ()
      %get3A_523 = arith.constant 0 : index
      %get3A_524 = tpu.vector_load %arg8[%get3A_523] {strides = array<i32>} : memref<16xi32, #tpu.memory_space<vmem>>, vector<16xi32>,
      %get3A_525 = vector.shape_cast %get3A_524 : vector<16xi32> to vector<16xi32>
      %sub3A_526 = vector.broadcast %mul3A_0 : i32 to vector<16xi32>
      %sub3A_527 = arith.subi %get3A_525, %sub3A_526 : vector<16xi32>
      %ge3A = arith.constant 0 : i32
      %ge3A_528 = vector.broadcast %ge3A : i32 to vector<16xi32>
      %ge3A_529 = arith.cmpi sge, %sub3A_527, %ge3A_528 : vector<16xi32>
      %lt3A_530 = arith.constant 5000 : i32
      %lt3A_531 = vector.broadcast %lt3A_530 : i32 to vector<16xi32>
      %lt3A_532 = arith.cmpi slt, %sub3A_527, %lt3A_531 : vector<16xi32>
      %and3A_533 = arith.andi %ge3A_529, %lt3A_532 : vector<16xi1>
      %jit3A_534 = arith.constant 5000 : i32
      %broadcast_in_dim3A_535 = vector.broadcast %jit3A_534 : i32 to vector<16xi32>
      %select_n3A_536 = arith.select %and3A_533, %sub3A_527, %broadcast_in_dim3A_535 : vector<16xi1>, vector<16xi32>
      %swap3A = arith.constant 0 : index
      %swap3A_537 = tpu.vector_load %arg9[%swap3A] {strides = array<i32>} : memref<16xi32, #tpu.memory_space<vmem>>, vector<16xi32>,
      %swap3A_538 = vector.shape_cast %swap3A_537 : vector<16xi32> to vector<16xi32>
      %swap3A_539 = vector.shape_cast %select_n3A_536 : vector<16xi32> to vector<16xi32>
      tpu.vector_store %arg9[%swap3A], %swap3A_539 {strides = array<i32>} : memref<16xi32, #tpu.memory_space<vmem>>, vector<16xi32>,
      "tpu.region"() ({
        %run_scoped3A = tpu.sem_alloc : memref<!tpu.dma_semaphore, #tpu.memory_space<semaphore_mem>>
        %dma_start3A_540 = arith.constant 0 : i32
        %dma_start3A_541 = arith.constant 0 : i32
        %dma_start3A_542 = tpu.memref_slice %arg12[%dma_start3A_540, %dma_start3A_541] : memref<5008x128xf32, #tpu.memory_space<vmem_shared>> -> memref<5008x128xf32, #tpu.memory_space<vmem_shared>>
        tpu.enqueue_indirect_dma source(%arg7 : memref<16x128xf32, #tpu.memory_space<vmem>>) target(%dma_start3A_542 : memref<5008x128xf32, #tpu.memory_space<vmem_shared>>) offsets(%arg9 : memref<16xi32, #tpu.memory_space<vmem>>) semaphore(%run_scoped3A : memref<!tpu.dma_semaphore, #tpu.memory_space<semaphore_mem>>) {add = true}
        %dma_wait3A_543 = arith.constant 0 : i32
        %dma_wait3A_544 = arith.constant 0 : i32
        %dma_wait3A_545 = tpu.memref_slice %arg12[%dma_wait3A_543, %dma_wait3A_544] : memref<5008x128xf32, #tpu.memory_space<vmem_shared>> -> memref<5008x128xf32, #tpu.memory_space<vmem_shared>>
        tpu.wait_indirect_dma semaphore(%run_scoped3A : memref<!tpu.dma_semaphore, #tpu.memory_space<semaphore_mem>>) src(%arg7 : memref<16x128xf32, #tpu.memory_space<vmem>>) dst(%dma_wait3A_545 : memref<5008x128xf32, #tpu.memory_space<vmem_shared>>)
        tpu.yield
      }) : () -> ()
    }
    %while3A_504 = arith.constant 1 : i32
    scf.for %while3A_518 = %while3A_502 to %while3A_498 step %while3A_504  : i32 {
      %mul3A_519 = arith.constant 16 : i32
      %mul3A_520 = arith.muli %while3A_518, %mul3A_519 : i32
      %add3A_521 = arith.addi %multiple_of3A_487, %mul3A_520 : i32
      %multiple_of3A_522 = tpu.assume_multiple %add3A_521, 16 : i32
      "tpu.region"() ({
        %run_scoped3A = tpu.sem_alloc : memref<!tpu.dma_semaphore, #tpu.memory_space<semaphore_mem>>
        %dma_start3A_540 = arith.constant 0 : i32
        %dma_start3A_541 = tpu.memref_slice %arg2[%multiple_of3A_522, %dma_start3A_540] : memref<320000x128xf32, #tpu.memory_space<hbm>> -> memref<16x128xf32, #tpu.memory_space<hbm>>
        %dma_start3A_542 = arith.constant 0 : i32
        %dma_start3A_543 = tpu.memref_slice %arg2[%multiple_of3A_522, %dma_start3A_542] : memref<320000x128xf32, #tpu.memory_space<hbm>> -> memref<16x128xf32, #tpu.memory_space<hbm>>
        tpu.enqueue_dma source(%dma_start3A_543 : memref<16x128xf32, #tpu.memory_space<hbm>>) target(%arg7 : memref<16x128xf32, #tpu.memory_space<vmem>>) target_semaphore(%run_scoped3A : memref<!tpu.dma_semaphore, #tpu.memory_space<semaphore_mem>>)
        %dma_wait3A_544 = arith.constant 0 : i32
        %dma_wait3A_545 = tpu.memref_slice %arg2[%multiple_of3A_522, %dma_wait3A_544] : memref<320000x128xf32, #tpu.memory_space<hbm>> -> memref<16x128xf32, #tpu.memory_space<hbm>>
        %dma_wait3A_546 = arith.constant 0 : i32
        %dma_wait3A_547 = tpu.memref_slice %arg2[%multiple_of3A_522, %dma_wait3A_546] : memref<320000x128xf32, #tpu.memory_space<hbm>> -> memref<16x128xf32, #tpu.memory_space<hbm>>
        tpu.wait_dma2 semaphore(%run_scoped3A : memref<!tpu.dma_semaphore, #tpu.memory_space<semaphore_mem>>) src(%dma_wait3A_547 : memref<16x128xf32, #tpu.memory_space<hbm>>) dst(%arg7 : memref<16x128xf32, #tpu.memory_space<vmem>>)
        tpu.yield
      }) : () -> ()
      "tpu.region"() ({
        %run_scoped3A = tpu.sem_alloc : memref<!tpu.dma_semaphore, #tpu.memory_space<semaphore_mem>>
        %dma_start3A_540 = tpu.memref_slice %arg3[%multiple_of3A_522] : memref<320000xi32, #tpu.memory_space<hbm>> -> memref<16xi32, #tpu.memory_space<hbm>>
        %dma_start3A_541 = tpu.memref_slice %arg3[%multiple_of3A_522] : memref<320000xi32, #tpu.memory_space<hbm>> -> memref<16xi32, #tpu.memory_space<hbm>>
        tpu.enqueue_dma source(%dma_start3A_541 : memref<16xi32, #tpu.memory_space<hbm>>) target(%arg8 : memref<16xi32, #tpu.memory_space<vmem>>) target_semaphore(%run_scoped3A : memref<!tpu.dma_semaphore, #tpu.memory_space<semaphore_mem>>)
        %dma_wait3A_542 = tpu.memref_slice %arg3[%multiple_of3A_522] : memref<320000xi32, #tpu.memory_space<hbm>> -> memref<16xi32, #tpu.memory_space<hbm>>
        %dma_wait3A_543 = tpu.memref_slice %arg3[%multiple_of3A_522] : memref<320000xi32, #tpu.memory_space<hbm>> -> memref<16xi32, #tpu.memory_space<hbm>>
        tpu.wait_dma2 semaphore(%run_scoped3A : memref<!tpu.dma_semaphore, #tpu.memory_space<semaphore_mem>>) src(%dma_wait3A_543 : memref<16xi32, #tpu.memory_space<hbm>>) dst(%arg8 : memref<16xi32, #tpu.memory_space<vmem>>)
        tpu.yield
      }) : () -> ()
      %get3A_523 = arith.constant 0 : index
      %get3A_524 = tpu.vector_load %arg8[%get3A_523] {strides = array<i32>} : memref<16xi32, #tpu.memory_space<vmem>>, vector<16xi32>,
      %get3A_525 = vector.shape_cast %get3A_524 : vector<16xi32> to vector<16xi32>
      %sub3A_526 = vector.broadcast %mul3A_0 : i32 to vector<16xi32>
      %sub3A_527 = arith.subi %get3A_525, %sub3A_526 : vector<16xi32>
      %ge3A = arith.constant 0 : i32
      %ge3A_528 = vector.broadcast %ge3A : i32 to vector<16xi32>
      %ge3A_529 = arith.cmpi sge, %sub3A_527, %ge3A_528 : vector<16xi32>
      %lt3A_530 = arith.constant 5000 : i32
      %lt3A_531 = vector.broadcast %lt3A_530 : i32 to vector<16xi32>
      %lt3A_532 = arith.cmpi slt, %sub3A_527, %lt3A_531 : vector<16xi32>
      %and3A_533 = arith.andi %ge3A_529, %lt3A_532 : vector<16xi1>
      %jit3A_534 = arith.constant 5000 : i32
      %broadcast_in_dim3A_535 = vector.broadcast %jit3A_534 : i32 to vector<16xi32>
      %select_n3A_536 = arith.select %and3A_533, %sub3A_527, %broadcast_in_dim3A_535 : vector<16xi1>, vector<16xi32>
      %swap3A = arith.constant 0 : index
      %swap3A_537 = tpu.vector_load %arg9[%swap3A] {strides = array<i32>} : memref<16xi32, #tpu.memory_space<vmem>>, vector<16xi32>,
      %swap3A_538 = vector.shape_cast %swap3A_537 : vector<16xi32> to vector<16xi32>
      %swap3A_539 = vector.shape_cast %select_n3A_536 : vector<16xi32> to vector<16xi32>
      tpu.vector_store %arg9[%swap3A], %swap3A_539 {strides = array<i32>} : memref<16xi32, #tpu.memory_space<vmem>>, vector<16xi32>,
      "tpu.region"() ({
        %run_scoped3A = tpu.sem_alloc : memref<!tpu.dma_semaphore, #tpu.memory_space<semaphore_mem>>
        %dma_start3A_540 = arith.constant 0 : i32
        %dma_start3A_541 = arith.constant 0 : i32
        %dma_start3A_542 = tpu.memref_slice %arg12[%dma_start3A_540, %dma_start3A_541] : memref<5008x128xf32, #tpu.memory_space<vmem_shared>> -> memref<5008x128xf32, #tpu.memory_space<vmem_shared>>
        tpu.enqueue_indirect_dma source(%arg7 : memref<16x128xf32, #tpu.memory_space<vmem>>) target(%dma_start3A_542 : memref<5008x128xf32, #tpu.memory_space<vmem_shared>>) offsets(%arg9 : memref<16xi32, #tpu.memory_space<vmem>>) semaphore(%run_scoped3A : memref<!tpu.dma_semaphore, #tpu.memory_space<semaphore_mem>>) {add = true}
        %dma_wait3A_543 = arith.constant 0 : i32
        %dma_wait3A_544 = arith.constant 0 : i32
        %dma_wait3A_545 = tpu.memref_slice %arg12[%dma_wait3A_543, %dma_wait3A_544] : memref<5008x128xf32, #tpu.memory_space<vmem_shared>> -> memref<5008x128xf32, #tpu.memory_space<vmem_shared>>
        tpu.wait_indirect_dma semaphore(%run_scoped3A : memref<!tpu.dma_semaphore, #tpu.memory_space<semaphore_mem>>) src(%arg7 : memref<16x128xf32, #tpu.memory_space<vmem>>) dst(%dma_wait3A_545 : memref<5008x128xf32, #tpu.memory_space<vmem_shared>>)
        tpu.yield
      }) : () -> ()
    }
    %barrier3A_505 = arith.constant 0 : index
    tpu.barrier barrier_id(%barrier3A_505)
    %scan3A_506 = arith.constant 0 : i32
    %scan3A_507 = arith.constant 0 : i32
    %scan3A_508 = arith.constant 8 : i32
    %scan3A_509 = arith.addi %scan3A_507, %scan3A_508 : i32
    %scan3A_510 = arith.constant 1 : i32
    scf.for %scan3A_518 = %scan3A_507 to %scan3A_509 step %scan3A_510  : i32 {
      %mul3A_519 = arith.constant 16 : i32
      %mul3A_520 = arith.muli %scan3A_518, %mul3A_519 : i32
      %add3A_521 = arith.addi %arg1, %mul3A_520 : i32
      %lt3A_522 = arith.constant 125 : i32
      %lt3A_523 = arith.cmpi slt, %add3A_521, %lt3A_522 : i32
      %convert_element_type3A_524 = arith.extui %lt3A_523 : i1 to i32
      %cond3A_525 = arith.constant 0 : i32
      %cond3A_526 = arith.cmpi ne, %convert_element_type3A_524, %cond3A_525 : i32
      scf.if %cond3A_526 {
        %mul3A_527 = arith.constant 40 : i32
        %mul3A_528 = arith.muli %add3A_521, %mul3A_527 : i32
        %mul3A_529 = arith.constant 40 : i32
        %mul3A_530 = arith.muli %add3A_521, %mul3A_529 : i32
        %add3A_531 = arith.addi %mul3A_0, %mul3A_530 : i32
        %dma_start3A_532 = arith.constant 0 : i32
        %dma_start3A_533 = tpu.memref_slice %arg4[%add3A_531, %dma_start3A_532] : memref<10000x128xf32, #tpu.memory_space<hbm>> -> memref<40x128xf32, #tpu.memory_space<hbm>>
        %dma_start3A_534 = arith.constant 0 : i32
        %dma_start3A_535 = tpu.memref_slice %arg12[%mul3A_528, %dma_start3A_534] : memref<5008x128xf32, #tpu.memory_space<vmem_shared>> -> memref<40x128xf32, #tpu.memory_space<vmem_shared>>
        tpu.enqueue_dma source(%dma_start3A_535 : memref<40x128xf32, #tpu.memory_space<vmem_shared>>) target(%dma_start3A_533 : memref<40x128xf32, #tpu.memory_space<hbm>>) target_semaphore(%arg17 : memref<!tpu.dma_semaphore, #tpu.memory_space<semaphore_mem>>)
      } else {
      }
    }
    %scan3A_511 = arith.constant 8 : i32
    %scan3A_512 = arith.constant 0 : i32
    %scan3A_513 = arith.constant 0 : i32
    %scan3A_514 = arith.constant 8 : i32
    %scan3A_515 = arith.addi %scan3A_513, %scan3A_514 : i32
    %scan3A_516 = arith.constant 1 : i32
    scf.for %scan3A_518 = %scan3A_513 to %scan3A_515 step %scan3A_516  : i32 {
      %mul3A_519 = arith.constant 16 : i32
      %mul3A_520 = arith.muli %scan3A_518, %mul3A_519 : i32
      %add3A_521 = arith.addi %arg1, %mul3A_520 : i32
      %lt3A_522 = arith.constant 125 : i32
      %lt3A_523 = arith.cmpi slt, %add3A_521, %lt3A_522 : i32
      %convert_element_type3A_524 = arith.extui %lt3A_523 : i1 to i32
      %cond3A_525 = arith.constant 0 : i32
      %cond3A_526 = arith.cmpi ne, %convert_element_type3A_524, %cond3A_525 : i32
      scf.if %cond3A_526 {
        %mul3A_527 = arith.constant 40 : i32
        %mul3A_528 = arith.muli %add3A_521, %mul3A_527 : i32
        %mul3A_529 = arith.constant 40 : i32
        %mul3A_530 = arith.muli %add3A_521, %mul3A_529 : i32
        %add3A_531 = arith.addi %mul3A_0, %mul3A_530 : i32
        %dma_wait3A_532 = arith.constant 0 : i32
        %dma_wait3A_533 = tpu.memref_slice %arg4[%add3A_531, %dma_wait3A_532] : memref<10000x128xf32, #tpu.memory_space<hbm>> -> memref<40x128xf32, #tpu.memory_space<hbm>>
        %dma_wait3A_534 = arith.constant 0 : i32
        %dma_wait3A_535 = tpu.memref_slice %arg12[%mul3A_528, %dma_wait3A_534] : memref<5008x128xf32, #tpu.memory_space<vmem_shared>> -> memref<40x128xf32, #tpu.memory_space<vmem_shared>>
        tpu.wait_dma2 semaphore(%arg17 : memref<!tpu.dma_semaphore, #tpu.memory_space<semaphore_mem>>) src(%dma_wait3A_535 : memref<40x128xf32, #tpu.memory_space<vmem_shared>>) dst(%dma_wait3A_533 : memref<40x128xf32, #tpu.memory_space<hbm>>)
      } else {
      }
    }
    %scan3A_517 = arith.constant 8 : i32
    return
  }
}

</mosaic_0001>

<sc_bundles>
// kernel: _sc_segment_sum.3.cloned.1.call-start
scs
__scs_entry_jumppad:
0x0: {  	(pc) =	sbr.rel $0x88, $3  }
0x1: {  	(tag) =	ssettag $0x0;
	lr =	simm.s32 $0x1  }
0x2: {  	[smem:$0x3F9F] =	sst lr;
	_ =	strace $0xD0000000  }
0x3: {  	_ = 	snop  }
0x4: {  	_ = 	snop  }
0x5: {  	_ = 	snop  }
0x6: {  	_ = 	snop  }
0x7: {  	_ = 	snop  }
__scs_overlays_trampoline_lowered:
0x8: {  	[smem:$0x3FAE] =	sst s0  }
0x9: {  	[smem:$0x3FAF] =	sst s1  }
0xa: {  	[smem:$0x3FB0] =	sst s2  }
0xb: {  	[smem:$0x3FB1] =	sst s3  }
0xc: {  	[smem:$0x3FB2] =	sst s4  }
0xd: {  	[smem:$0x3FB3] =	sst s5  }
0xe: {  	[smem:$0x3FB4] =	sst s6  }
0xf: {  	[smem:$0x3FB5] =	sst s7  }
0x10: {  	[smem:$0x3FB6] =	sst s8  }
0x11: {  	[smem:$0x3FB7] =	sst s9;
	s0 =	simm.s32 @!p0 $0x0  }
0x12: {  	s1 =	sld [smem:$0x3F9D];
	s0 =	simm.s32 @p0 $0x1  }
0x13: {  	[smem:$0x3FB8] =	sst s0;
	s0 =	simm.s32 @!p1 $0x0  }
0x14: {  	s2 =	sld [smem:$0x3F9C];
	s0 =	simm.s32 @p1 $0x1  }
0x15: {  	[smem:$0x3FB9] =	sst s0;
	s0 =	simm.s32 @!p2 $0x0  }
0x16: {  	s3 =	sld [smem:$0x3FDB];
	s0 =	simm.s32 @p2 $0x1  }
0x17: {  	s4 =	simm.s32 $0x1BF5;
	[smem:$0x3FBB] =	sst s0  }
0x18: {  	s0 =	sld [smem:$0x3F9E];
	_ =	swait.ge [sflag:s4], $0x0  }
0x19: {  	s7 =	sld [smem:$0x3F9F]  }
0x1a: {  	s8 =	sadd.s32 $0xFFFFE003, lr  }
0x1b: {  	s9 =	sadd.s32 $0xFFFFFEF7, lr;
	s5 =	simm.s32 $0xFFFFFFFF;
	p2 =	slt.u32 s8, $0xFFFFF086  }
0x1c: {  	p1 =	slt.u32 s9, $0xF7A;
	s5 =	simm.s32 @!p2 $0x0  }
0x1d: {  	s5 =	simm.s32 @p1 $0x1;
	p0 =	seq.s32 s7, s2  }
0x1e: {  	s7 =	smul.u32 @!p0 $0xF7A, s2;
	p2 =	seq.s32 @!p0 s5, $0x0  }
0x1f: {  	s9 =	smul.u32 $0xF7A, s1;
	s8 =	simm.s32 @!p0 $0x1BF5;
	p2 =	por !p2, p0  }
0x20: {  	[sflag:s8] =	ssyncset.s32 @!p0 $0xFFFFF086;
	s6 =	sadd.s32 @!p0 s3, s7;
	s7 =	simm.s32 @!p0 $0x108  }
0x21: {  	s3 =	sadd.s32 s3, s9;
	s6 =	sadd.s32 @!p0 $0x88, s6;
	s7 =	simm.s32 @p2 $0x1082  }
0x22: {  	[simem:s7], [sflag:s8] =	dma.local @!p0 [hbm:s6], $0xF7A  }
0x23: {  	s9 =	sor.u32 $0xD0000000, s2;
	s6 =	simm.s32 $0x108;
	_ =	swait.ge @!p0 [sflag:s8], $0x0  }
0x24: {  	s3 =	sadd.s32 $0x88, s3;
	s6 =	simm.s32 @!p1 $0x1082;
	[sflag:s4] =	ssyncset.s32 $0xFFFFF086  }
0x25: {  	[simem:s6], [sflag:s4] =	dma.local [hbm:s3], $0xF7A  }
0x26: {  	[smem:$0x3F9F] =	sst s1;
	(tag) =	ssettag s2;
	_ =	strace s9  }
0x27: {  	s1 =	sld [smem:$0x3FAF]  }
0x28: {  	s2 =	sld [smem:$0x3FB0]  }
0x29: {  	s4 =	sld [smem:$0x3FB2]  }
0x2a: {  	p0 =	seq.s32 s5, $0x0;
	s5 =	sld [smem:$0x3FB3]  }
0x2b: {  	s6 =	sld [smem:$0x3FB4]  }
0x2c: {  	s7 =	sld [smem:$0x3FB5]  }
0x2d: {  	s3 =	simm.s32 $0x108;
	s8 =	sld [smem:$0x3FB6]  }
0x2e: {  	s3 =	simm.s32 @!p0 $0x1082;
	s9 =	sld [smem:$0x3FB7]  }
0x2f: {  	lr =	sadd.s32 s0, s3;
	s0 =	sld [smem:$0x3FAE]  }
0x30: {  	s3 =	sld [smem:$0x3FB1]  }
0x31: {  	[smem:$0x3FBA] =	sst s10  }
0x32: {  	s10 =	sld [smem:$0x3FB8];
	_ =	sdelay $0x3  }
0x33: {  	p0 =	seq.s32 s10, $0x1;
	s10 =	sld [smem:$0x3FBA];
	_ =	sdelay $0x3  }
0x34: {  	[smem:$0x3FBA] =	sst s10  }
0x35: {  	s10 =	sld [smem:$0x3FB9];
	_ =	sdelay $0x3  }
0x36: {  	p1 =	seq.s32 s10, $0x1;
	s10 =	sld [smem:$0x3FBA];
	_ =	sdelay $0x3  }
0x37: {  	[smem:$0x3FBA] =	sst s10  }
0x38: {  	s10 =	sld [smem:$0x3FBB]  }
0x39: {  	_ = 	snop;
	(pc) =	sbr.ind lr, $3  }
0x3a: {  	_ = 	snop  }
0x3b: {  	_ = 	snop  }
0x3c: {  	p2 =	seq.s32 s10, $0x1;
	s10 =	sld [smem:$0x3FBA]  }
0x3d: {  	_ =	shalt  }
0x3e: {  	_ =	shalt  }
0x3f: {  	_ =	shalt  }
0x40: {  	_ =	shalt  }
0x41: {  	_ =	shalt  }
0x42: {  	_ =	shalt  }
0x43: {  	_ =	shalt  }
0x44: {  	_ =	shalt  }
0x45: {  	_ =	shalt  }
0x46: {  	_ =	shalt  }
0x47: {  	_ =	shalt  }
0x48: {  	_ =	shalt  }
0x49: {  	_ =	shalt  }
0x4a: {  	_ =	shalt  }
0x4b: {  	_ =	shalt  }
0x4c: {  	_ =	shalt  }
0x4d: {  	_ =	shalt  }
0x4e: {  	_ =	shalt  }
0x4f: {  	_ =	shalt  }
0x50: {  	_ =	shalt  }
0x51: {  	_ =	shalt  }
0x52: {  	_ =	shalt  }
0x53: {  	_ =	shalt  }
0x54: {  	_ =	shalt  }
0x55: {  	_ =	shalt  }
0x56: {  	_ =	shalt  }
0x57: {  	_ =	shalt  }
0x58: {  	_ =	shalt  }
0x59: {  	_ =	shalt  }
0x5a: {  	_ =	shalt  }
0x5b: {  	_ =	shalt  }
0x5c: {  	_ =	shalt  }
0x5d: {  	_ =	shalt  }
0x5e: {  	_ =	shalt  }
0x5f: {  	_ =	shalt  }
0x60: {  	_ =	shalt  }
0x61: {  	_ =	shalt  }
0x62: {  	_ =	shalt  }
0x63: {  	_ =	shalt  }
0x64: {  	_ =	shalt  }
0x65: {  	_ =	shalt  }
0x66: {  	_ =	shalt  }
0x67: {  	_ =	shalt  }
0x68: {  	_ =	shalt  }
0x69: {  	_ =	shalt  }
0x6a: {  	_ =	shalt  }
0x6b: {  	_ =	shalt  }
0x6c: {  	_ =	shalt  }
0x6d: {  	_ =	shalt  }
0x6e: {  	_ =	shalt  }
0x6f: {  	_ =	shalt  }
0x70: {  	_ =	shalt  }
0x71: {  	_ =	shalt  }
0x72: {  	_ =	shalt  }
0x73: {  	_ =	shalt  }
0x74: {  	_ =	shalt  }
0x75: {  	_ =	shalt  }
0x76: {  	_ =	shalt  }
0x77: {  	_ =	shalt  }
0x78: {  	_ =	shalt  }
0x79: {  	_ =	shalt  }
0x7a: {  	_ =	shalt  }
0x7b: {  	_ =	shalt  }
0x7c: {  	_ =	shalt  }
0x7d: {  	_ =	shalt  }
0x7e: {  	_ =	shalt  }
0x7f: {  	_ =	shalt  }
0x80: {  	_ =	shalt  }
0x81: {  	_ =	shalt  }
0x82: {  	_ =	shalt  }
0x83: {  	_ =	shalt  }
0x84: {  	_ =	shalt  }
0x85: {  	_ =	shalt  }
0x86: {  	_ =	shalt  }
0x87: {  	_ =	shalt  }
.Lfunc_end0:
.L_simem_size_0:
called_computation_lowered:
.L_overlay_start_0:
0x88: {  	s2 =	sld [smem:$0x3FD9]  }
0x89: {  	s3 =	sld [smem:$0x3FFE];
	_ =	sdelay $0x1  }
0x8a: {  	s1 =	srdreg.scid  }
0x8b: {  	s0 =	sand.u32 $0x1, s1  }
0x8c: {  	s18 =	sshll.u32 s0, $0xA;
	s2 =	sadd.s32 s3, s2  }
0x8d: {  	s2 =	sadd.s32 s2, s18  }
0x8e: {  	[smem:$0x3FC6] =	sst s2  }
0x8f: {  	_ = 	snop  }
0x90: {  	s2 =	sld [smem:$0x3FC9]  }
0x91: {  	s19 =	sld [smem:$0x3FC8]  }
0x92: {  	s4 =	sld [smem:$0x3FD0];
	(tm) =	ssettm $0x1  }
0x93: {  	s5 =	sld [smem:$0x3FFB];
	_ =	sdelay $0x3  }
0x94: {  	_ =	strace s5  }
0x95: {  	s5 =	sld [smem:$0x3FFC];
	_ =	sdelay $0x3  }
0x96: {  	_ =	strace s5  }
0x97: {  	s5 =	sld [smem:$0x3FFD];
	_ =	sdelay $0x3  }
0x98: {  	_ =	strace s5  }
0x99: {  	_ =	strace $0x8FFFFFFF  }
0x9a: {  	s20 =	sld [smem:$0x3FDB];
	_ =	sdelay $0x1  }
0x9b: {  	s6 =	simm.s32 $_scs_section_size  }
0x9c: {  	s7 =	simm.s32 $_size__tile_overlayer_lowered;
	s8 =	simm.s32 $_tile_overlayer_lowered  }
0x9d: {  	s23 =	simm.s32 $0x1BFF;
	s22 =	sshll.u32 s8, $0x1;
	s5 =	sadd.s32 s6, s20  }
0x9e: {  	s9 =	simm.s32 $0x0;
	s21 =	sshll.u32 s7, $0x1;
	s7 =	sadd.s32 s22, s5  }
0x9f: {  	[timem:s9], [sflag:s23] =	dma.local [hbm:s7], s21  }
0xa0: {  	_ =	swait.ge [sflag:s23], s21  }
0xa1: {  	s6 =	ssub.s32 $0x0, s21;
	[sflag:s23] =	ssyncset.done $0x0  }
0xa2: {  	[sflag:s23] =	ssyncadd.s32 s6;
	_ =	sdelay $0x1  }
0xa3: {  	s24 =	simm.s32 $0x1B8B  }
0xa4: {  	_ =	swait.ge [sflag:s24], $0x1  }
0xa5: {  	[sflag:s24] =	ssyncset.done $0x0  }
0xa6: {  	s25 =	simm.s32 $0x1B8E;
	[sflag:s24] =	ssyncadd.s32 $0xFFFFFFFF  }
0xa7: {  	s26 =	simm.s32 $execute0_lowered;
	[smem:$0x3FD2] =	sst s25  }
0xa8: {  	s6 =	sshll.u32 s26, $0x1;
	_ =	strace $0x80000046;
	[dreg:$0x1] =	wrdreg $0xFFFFFFFF  }
0xa9: {  	s28 =	simm.s32 $_size_execute0_lowered;
	s5 =	sadd.s32 s5, s6;
	[dreg:$0x0] =	wrdreg $0x0  }
0xaa: {  	s6 =	sshll.u32 s28, $0x1;
	[dreg:$0x2] =	wrdreg s5  }
0xab: {  	[dreg:$0x3] =	wrdreg s6  }
0xac: {  	[dreg:$0x4] =	wrdreg $0xC0  }
0xad: {  	_ =	task [dreg:s9], $0x5FFFF  }
0xae: {  	[dreg:$0x1] =	wrdreg $0xFFFFFFFF  }
0xaf: {  	[dreg:$0x0] =	wrdreg $0x60  }
0xb0: {  	[dreg:$0x2] =	wrdreg s2  }
0xb1: {  	[dreg:$0x3] =	wrdreg s19  }
0xb2: {  	[dreg:$0x4] =	wrdreg s4  }
0xb3: {  	[dreg:$0x5] =	wrdreg $0x145800  }
0xb4: {  	[dreg:$0x6] =	wrdreg $0x9  }
0xb5: {  	_ =	task.clear_ibuf [dreg:s9], $0x7FFFF;
	_ =	strace $0x90000046  }
0xb6: {  	s29 =	simm.s32 $0x9;
	_ =	strace $0x80000048  }
0xb7: {  	_ =	swait.ge [sflag:s29], $0x1  }
0xb8: {  	[sflag:s29] =	ssyncadd.s32 $0xFFFFFFFF  }
0xb9: {  	_ =	strace $0x90000048  }
0xba: {  	_ =	sfence  }
0xbb: {  	s30 =	sld [smem:$0x0];
	_ =	sdelay $0x2  }
0xbc: {  	s31 =	sshll.u32 s1, $0xD;
	s1 =	sshrl.u32 s1, $0x2  }
0xbd: {  	s3 =	sand.u32 $0x4000, s31;
	s1 =	sadd.s32 s1, s30  }
0xbe: {  	s0 =	sor.u32 s3, s0;
	s1 =	sshll.u32 s1, $0x11  }
0xbf: {  	s0 =	sor.u32 s1, s0  }
0xc0: {  	s0 =	sadd.s32 $0x8F2B, s0  }
0xc1: {  	[sflag:s0] =	ssyncadd.remote.s32 $0x1  }
0xc2: {  	_ =	sfence.sel $0xFFFF  }
0xc3: {  	[dreg:$0x0] =	wrdreg $0xFFFFFFFF;
	(pc) =	sbr.abs _section_cstart, $3  }
0xc4: {  	[dreg:$0x1] =	wrdreg $0xFFFFFFFF  }
0xc5: {  	_ =	task.clear_ibuf [dreg:s9], $0x2FFFF;
	_ =	strace $0x9FFFFFFF  }
0xc6: {  	(tm) =	ssettm $0x7FFFFFFF  }
0xc7: {  	_ =	shalt  }
tec
execute0_lowered:
.L_overlay_start_1:
0x0: {  	(tag) =	ssettag $0x1  }
0x1: {  	s20 =	rddreg [dreg:$0x0]  }
0x2: {  	s2 =	rddreg [dreg:$0x1]  }
0x3: {  	s1 =	rddreg [dreg:$0x2]  }
0x4: {  	s3 =	rddreg [dreg:$0x3];
	s0 =	srdreg.scid  }
0x5: {  	s5 =	simm.s32 $0x0;
	s21 =	stileid.u32;
	s31 =	simm.s32 $0x13180  }
0x6: {  	s28 =	simm.s32 $0x13080;
	s29 =	simm.s32 $0x0;
	s4 =	sand.u32 $0x1, s0  }
0x7: {  	[smem:$0x7FF] =	sst s5;
	s8 =	smul.u32 $0x2700, s21;
	s18 =	smin.u32 s21, $0x2  }
0x8: {  	p1 =	slt.u32 s21, $0x2;
	s19 =	smul.u32 $0x28, s21;
	s10 =	sor.u32 $0x20, s21  }
0x9: {  	s11 =	sor.u32 $0x30, s21;
	s12 =	sor.u32 $0x40, s21;
	s6 =	smul.u32 $0x27100, s4  }
0xa: {  	s15 =	sor.u32 $0x50, s21;
	s16 =	sor.u32 $0x60, s21;
	s9 =	smul.u32 $0x1388, s4  }
0xb: {  	s17 =	sor.u32 $0x70, s21;
	p2 =	sgt.u32 s21, $0xC;
	s14 =	smul.u32 $0x28, s10  }
0xc: {  	s0 =	ssub.s32 $0x2, s4;
	_ =	strace $0x80000047;
	s24 =	smul.u32 $0x28, s11  }
0xd: {  	s26 =	smul.u32 $0x28, s15;
	p0 =	seq.s32 s4, $0x0;
	s7 =	sshrl.u32 s0, $0x1  }
0xe: {  	s7 =	ssub.s32 s0, s7;
	s6 =	sadd.s32 s8, s6;
	s0 =	sshll.u32 s18, $0x7  }
0xf: {  	s8 =	sor.u32 $0x10, s21;
	s0 =	sadd.s32 s0, s6;
	s6 =	sadd.s32 s9, s19  }
0x10: {  	s23 =	sadd.s32 s9, s14;
	s13 =	smul.u32 $0x28, s8;
	s6 =	sshll.u32 s6, $0x4  }
0x11: {  	s18 =	smul.u32 $0x28, s12;
	s19 =	sadd.s32 s9, s24;
	s6 =	sadd.s32 s1, s6  }
0x12: {  	s22 =	sadd.s32 s9, s13;
	s13 =	sshll.u32 s23, $0x4;
	s23 =	smul.u32 $0x28, s16  }
0x13: {  	[dreg:$0x5] =	wrdreg s6;
	s6 =	sshll.u32 s22, $0x4;
	s25 =	sadd.s32 s1, s13  }
0x14: {  	s22 =	sadd.s32 s9, s18;
	s13 =	sshll.u32 s19, $0x4;
	s19 =	smul.u32 $0x28, s17  }
0x15: {  	s6 =	sadd.s32 s1, s6;
	[dreg:$0x7] =	wrdreg s25;
	s14 =	sshll.u32 s22, $0x4  }
0x16: {  	s13 =	sadd.s32 s1, s13;
	s22 =	smul.u32 $0x5000, s21;
	[dreg:$0x6] =	wrdreg s6  }
0x17: {  	s25 =	sadd.s32 s9, s23;
	s23 =	smul.u32 $0x5000, s8;
	[dreg:$0x8] =	wrdreg s13  }
0x18: {  	s24 =	sadd.s32 s1, s14;
	s13 =	sshll.u32 s25, $0x4;
	s25 =	smul.u32 $0x5000, s10  }
0x19: {  	s6 =	sadd.s32 s9, s26;
	s26 =	sadd.s32 s9, s19;
	s10 =	smul.u32 $0x5000, s15  }
0x1a: {  	s14 =	simm.s32 $0x4F;
	s19 =	sshll.u32 s0, $0x4;
	s15 =	smul.u32 $0x5000, s17  }
0x1b: {  	v0 =	vmov s9;
	s0 =	sshrl.u32 s0, $0x3;
	s9 =	simm.s32 $0x1;
	[dreg:$0x9] =	wrdreg s24  }
0x1c: {  	s6 =	sshll.u32 s6, $0x4;
	s18 =	sshll.u32 s26, $0x4;
	s26 =	smul.u32 $0x5000, s11  }
0x1d: {  	s14 =	simm.s32 @!p1 $0x4E;
	s24 =	smax.u32 s7, $0x1;
	s7 =	smul.u32 $0x5000, s12  }
0x1e: {  	s4 =	sshrl.u32 s22, $0x2;
	s12 =	smul.u32 $0x5000, s16;
	p1 =	sgt.u32 s17, $0x7C  }
0x1f: {  	s0 =	sadd.s32 s0, s2;
	s6 =	sadd.s32 s1, s6;
	[dreg:$0xe] =	wrdreg s24  }
0x20: {  	s17 =	sshrl.u32 s15, $0x2;
	[dreg:$0x16] =	wrdreg s0;
	s0 =	simm.s32 $0x4000  }
0x21: {  	[dreg:$0xa] =	wrdreg s6;
	s6 =	sadd.s32 s1, s13;
	s1 =	sadd.s32 s1, s18  }
0x22: {  	s13 =	sadd.s32 s20, s19;
	s19 =	sadd.s32 s4, s3;
	s8 =	sshrl.u32 s26, $0x2  }
0x23: {  	s11 =	sshrl.u32 s7, $0x2;
	s4 =	sshrl.u32 s10, $0x2;
	[dreg:$0xb] =	wrdreg s6  }
0x24: {  	s16 =	sshrl.u32 s12, $0x2;
	s7 =	simm.s32 $0x6;
	[dreg:$0xc] =	wrdreg s1  }
0x25: {  	s10 =	simm.s32 $0x80;
	s12 =	simm.s32 $0x2;
	[dreg:$0xd] =	wrdreg s13  }
0x26: {  	s1 =	sshrl.u32 s23, $0x2;
	s18 =	sadd.s32 $0x800, s13;
	[dreg:$0xf] =	wrdreg s19  }
0x27: {  	s6 =	sshrl.u32 s25, $0x2;
	s21 =	sadd.s32 $0x1000, s13;
	[dreg:$0x17] =	wrdreg s18  }
0x28: {  	s23 =	sadd.s32 s8, s3;
	s26 =	sadd.s32 $0x1800, s13;
	[dreg:$0x18] =	wrdreg s21  }
0x29: {  	s24 =	sadd.s32 s11, s3;
	s25 =	sadd.s32 s4, s3;
	[dreg:$0x19] =	wrdreg s26  }
0x2a: {  	s30 =	sadd.s32 s16, s3;
	s4 =	sadd.s32 $0x2000, s13;
	[dreg:$0x11] =	wrdreg s23  }
.Ltmp0:
0x2b: {  	s8 =	simm.s32 $0x5;
	[dreg:$0x12] =	wrdreg s24;
	(pc) =	sbr.rel .LBB2_1-.Ltmp0, $4  }
0x2c: {  	s11 =	simm.s32 $0x8;
	s13 =	simm.s32 $0x10;
	[dreg:$0x13] =	wrdreg s25  }
0x2d: {  	v1 =	vimm.f32 $0.0e+00;
	v2 =	vlaneseq.u32;
	s16 =	simm.s32 $0x12800;
	s22 =	sadd.s32 s6, s3;
	[dreg:$0x14] =	wrdreg s30  }
0x2e: {  	vm0 =	vmmov $0xffff;
	v4 =	vimm.s32 $0x0;
	v3 =	vmul.u32 $0x4E20, v2;
	s20 =	sadd.s32 s1, s3;
	s1 =	sadd.s32 s17, s3;
	[dreg:$0x10] =	wrdreg s22  }
0x2f: {  	v5 =	vmul.u32 $0x4E2, v2;
	v6 =	vmul.u32 $0x4F, v2;
	v7 =	vmul.u32 $0x5, v2;
	s6 =	simm.s32 $0x7;
	s26 =	simm.s32 $0x13000;
	[dreg:$0x15] =	wrdreg s1  }
.LBB2_12:
0x30: {  	[sflag:s11] =	ssyncadd.s32 $0xFFFFF800  }
.LBB2_13:
0x31: {  	[bflag:$0x0] =	sbarrier.arrive $0xFFFF  }
0x32: {  	s15 =	sshll.u32 s21, $0x6;
	s19 =	rddreg [dreg:$0xf]  }
0x33: {  	s15 =	sor.u32 $0x1C05, s15;
	s18 =	rddreg [dreg:$0x5];
	s17 =	sshrl.u32 s19, $0x3  }
0x34: {  	[hbm:s18], [sflag:s15] =	dma.local [spmem:s17], $0x280  }
0x35: {  	s17 =	sshrl.u32 s20, $0x3;
	s18 =	rddreg [dreg:$0x6]  }
0x36: {  	[hbm:s18], [sflag:s15] =	dma.local [spmem:s17], $0x280  }
0x37: {  	s17 =	sshrl.u32 s22, $0x3;
	s18 =	rddreg [dreg:$0x7]  }
0x38: {  	[hbm:s18], [sflag:s15] =	dma.local [spmem:s17], $0x280  }
0x39: {  	s17 =	sshrl.u32 s23, $0x3;
	s18 =	rddreg [dreg:$0x8]  }
0x3a: {  	[hbm:s18], [sflag:s15] =	dma.local [spmem:s17], $0x280  }
0x3b: {  	s17 =	sshrl.u32 s24, $0x3;
	s18 =	rddreg [dreg:$0x9]  }
0x3c: {  	[hbm:s18], [sflag:s15] =	dma.local [spmem:s17], $0x280  }
0x3d: {  	s17 =	sshrl.u32 s25, $0x3;
	s18 =	rddreg [dreg:$0xa]  }
0x3e: {  	[hbm:s18], [sflag:s15] =	dma.local [spmem:s17], $0x280  }
0x3f: {  	s17 =	sshrl.u32 s30, $0x3;
	s18 =	rddreg [dreg:$0xb]  }
0x40: {  	[hbm:s18], [sflag:s15] =	dma.local [spmem:s17], $0x280  }
0x41: {  	s17 =	sshrl.u32 @!p1 s1, $0x3;
	s18 =	rddreg [dreg:$0xc]  }
0x42: {  	[hbm:s18], [sflag:s15] =	dma.local @!p1 [spmem:s17], $0x280  }
0x43: {  	_ =	swait.ge [sflag:s8], $0x280  }
0x44: {  	[sflag:s8] =	ssyncset.done $0x0  }
0x45: {  	[sflag:s8] =	ssyncadd.s32 $0xFFFFFD80  }
0x46: {  	_ =	swait.ge [sflag:s8], $0x280  }
0x47: {  	[sflag:s8] =	ssyncset.done $0x0  }
0x48: {  	[sflag:s8] =	ssyncadd.s32 $0xFFFFFD80  }
0x49: {  	_ =	swait.ge [sflag:s8], $0x280  }
0x4a: {  	[sflag:s8] =	ssyncset.done $0x0  }
0x4b: {  	[sflag:s8] =	ssyncadd.s32 $0xFFFFFD80  }
0x4c: {  	_ =	swait.ge [sflag:s8], $0x280  }
0x4d: {  	[sflag:s8] =	ssyncset.done $0x0  }
0x4e: {  	[sflag:s8] =	ssyncadd.s32 $0xFFFFFD80  }
0x4f: {  	_ =	swait.ge [sflag:s8], $0x280  }
0x50: {  	[sflag:s8] =	ssyncset.done $0x0  }
0x51: {  	[sflag:s8] =	ssyncadd.s32 $0xFFFFFD80  }
0x52: {  	_ =	swait.ge [sflag:s8], $0x280  }
0x53: {  	[sflag:s8] =	ssyncset.done $0x0  }
0x54: {  	[sflag:s8] =	ssyncadd.s32 $0xFFFFFD80  }
0x55: {  	_ =	swait.ge [sflag:s8], $0x280  }
0x56: {  	[sflag:s8] =	ssyncset.done $0x0  }
0x57: {  	s15 =	simm.s32 @!p2 $0x5;
	[sflag:s8] =	ssyncadd.s32 $0xFFFFFD80  }
0x58: {  	_ =	swait.ge @!p2 [sflag:s15], $0x280  }
0x59: {  	s29 =	sadd.s32 $0x1, s29;
	s18 =	rddreg [dreg:$0xe]  }
0x5a: {  	p3 =	sne.s32 s29, s18  }
.Ltmp1:
0x5b: {  	_ = 	snop;
	(pc) =	sbr.rel @!p3 .LBB2_14-.Ltmp1, $3  }
0x5c: {  	_ =	sdelay $0x1  }
0x5d: {  	[sflag:s15] =	ssyncset.done @!p2 $0x0  }
0x5e: {  	[sflag:s15] =	ssyncadd.s32 @!p2 $0xFFFFFD80  }
.LBB2_1:
0x5f: {  	s15 =	simm.s32 $0x0;
	s17 =	simm.s32 $0x200  }
.LBB2_2:
0x60: {  	p3 =	sne.s32 s17, $0x4E00;
	[tilespmem:s15+$0x131F0] =	vst v1  }
0x61: {  	[tilespmem:s15+$0x13180] =	vst v1  }
0x62: {  	[tilespmem:s15+$0x13190] =	vst v1  }
.Ltmp2:
0x63: {  	[tilespmem:s15+$0x131A0] =	vst v1;
	(pc) =	sbr.rel @p3 .LBB2_2-.Ltmp2, $4  }
0x64: {  	[tilespmem:s15+$0x131B0] =	vst v1  }
0x65: {  	[tilespmem:s15+$0x131C0] =	vst v1  }
0x66: {  	[tilespmem:s15+$0x131D0] =	vst v1  }
0x67: {  	[tilespmem:s15+$0x131E0] =	vst v1;
	s15 =	sshra.s32 s17, $0x2;
	s17 =	sadd.s32 $0x200, s17  }
0x68: {  	[tilespmem:s15+$0x131F0] =	vst v1  }
0x69: {  	[tilespmem:s15+$0x13180] =	vst v1  }
0x6a: {  	[tilespmem:s15+$0x13190] =	vst v1  }
0x6b: {  	[tilespmem:s15+$0x131A0] =	vst v1  }
0x6c: {  	[tilespmem:s15+$0x131B0] =	vst v1  }
0x6d: {  	[tilespmem:s15+$0x131C0] =	vst v1  }
0x6e: {  	[tilespmem:s15+$0x131D0] =	vst v1  }
0x6f: {  	[tilespmem:s15+$0x131E0] =	vst v1  }
0x70: {  	[spmem:s19] =	stream.linear.scatter [tilespmem:s31], [sflag:$0x5], $0x1400, $0x38;
	[tilespmem:$0x1E200] =	vst v63  }
0x71: {  	_ = 	snop  }
0x72: {  	[spmem:s20] =	stream.linear.scatter [tilespmem:s31], [sflag:$0x5], $0x1400, $0x38;
	[tilespmem:$0x1E200] =	vst v63  }
0x73: {  	_ = 	snop  }
0x74: {  	[spmem:s22] =	stream.linear.scatter [tilespmem:s31], [sflag:$0x5], $0x1400, $0x38;
	[tilespmem:$0x1E200] =	vst v63  }
0x75: {  	_ = 	snop  }
0x76: {  	[spmem:s23] =	stream.linear.scatter [tilespmem:s31], [sflag:$0x5], $0x1400, $0x38;
	[tilespmem:$0x1E200] =	vst v63  }
0x77: {  	_ = 	snop  }
0x78: {  	[spmem:s24] =	stream.linear.scatter [tilespmem:s31], [sflag:$0x5], $0x1400, $0x38;
	[tilespmem:$0x1E200] =	vst v63  }
0x79: {  	_ = 	snop  }
0x7a: {  	[spmem:s25] =	stream.linear.scatter [tilespmem:s31], [sflag:$0x5], $0x1400, $0x38;
	[tilespmem:$0x1E200] =	vst v63  }
0x7b: {  	_ = 	snop  }
0x7c: {  	[spmem:s30] =	stream.linear.scatter [tilespmem:s31], [sflag:$0x5], $0x1400, $0x38;
	[tilespmem:$0x1E200] =	vst v63  }
0x7d: {  	s15 =	simm.s32 @!p1 $0x13180  }
0x7e: {  	[spmem:s1] =	stream.linear.scatter @!p1 [tilespmem:s15], [sflag:$0x5], $0x1400, $0x38;
	[tilespmem:$0x1E200] =	vst v63  }
0x7f: {  	s21 =	rddreg [dreg:$0xd]  }
0x80: {  	[tilespmem:s5], [sflag:$0x1] =	stream.linear.gather [hbm4b:s21+s5], $0x4000, $0x38;
	[tilespmem:$0x1E200] =	vst v63  }
0x81: {  	s22 =	rddreg [dreg:$0x17]  }
0x82: {  	[tilespmem:s0], [sflag:$0x2] =	stream.linear.gather [hbm4b:s22+s5], $0x4000, $0x38;
	[tilespmem:$0x1E200] =	vst v63  }
0x83: {  	p3 =	sne.s32 s14, $0x1;
	s23 =	rddreg [dreg:$0x18];
	s24 =	simm.s32 $0x8000  }
0x84: {  	[tilespmem:s24], [sflag:$0x3] =	stream.linear.gather [hbm4b:s23+s5], $0x4000, $0x38;
	[tilespmem:$0x1E200] =	vst v63  }
.Ltmp3:
0x85: {  	_ = 	snop;
	(pc) =	sbr.rel @!p3 .LBB2_5-.Ltmp3, $4  }
0x86: {  	s25 =	rddreg [dreg:$0x19];
	s30 =	simm.s32 $0xC000  }
0x87: {  	[tilespmem:s30], [sflag:$0x4] =	stream.linear.gather [hbm4b:s25+s5], $0x4000, $0x38;
	[tilespmem:$0x1E200] =	vst v63  }
0x88: {  	s18 =	rddreg [dreg:$0x16];
	s17 =	sadd.s32 $0xFFFFFFFF, s14;
	s15 =	simm.s32 $0x10000  }
0x89: {  	[tilespmem:s15], [sflag:$0x6] =	stream.linear.gather [hbm4b:s18+s5], $0x80, $0x38;
	[tilespmem:$0x1E200] =	vst v63  }
.LBB2_4:
0x8a: {  	p4 =	sne.s32 s17, $0x1  }
.Ltmp4:
0x8b: {  	_ = 	snop;
	(pc) =	sbr.rel @p4 .LBB2_4-.Ltmp4, $4  }
0x8c: {  	_ = 	snop  }
0x8d: {  	s18 =	sadd.s32 $0x10, s18;
	s15 =	sadd.s32 $0x80, s15  }
0x8e: {  	s17 =	sadd.s32 $0xFFFFFFFF, s17  }
0x8f: {  	[tilespmem:s15], [sflag:$0x6] =	stream.linear.gather [hbm4b:s18+s5], $0x80, $0x38;
	[tilespmem:$0x1E200] =	vst v63  }
.LBB2_5:
0x90: {  	_ =	sdelay $0x2  }
0x91: {  	s1 =	smov.u32 s20;
	s20 =	simm.s32 $0x13100  }
0x92: {  	[tilespmem:s20], [sflag:$0x7] =	stream.indirect_vreg.gather [hbm4b:s2+s5], $0x1, v3, vm0, $0xb8;
	[tilespmem:$0x1E200] =	vst v63  }
0x93: {  	_ =	swait.ge [sflag:s6], $0x10  }
0x94: {  	[sflag:s6] =	ssyncset.done $0x0  }
0x95: {  	[sflag:s6] =	ssyncadd.s32 $0xFFFFFFF0  }
0x96: {  	v8 =	vld [tilespmem:$0x13100];
	_ =	sdelay $0x4  }
0x97: {  	vm1 =	vlt.s32 v8, $0x1388  }
0x98: {  	v8 =	vsel vm1, $0x1, v4  }
0x99: {  	(v2sf) =	vpush v8, $0x0  }
0x9a: {  	(v2sf) =	vpush v8, $0x1  }
0x9b: {  	(v2sf) =	vpush v8, $0x2  }
0x9c: {  	(v2sf) =	vpush v8, $0x3  }
0x9d: {  	(v2sf) =	vpush v8, $0x4  }
0x9e: {  	(v2sf) =	vpush v8, $0x5  }
0x9f: {  	(v2sf) =	vpush v8, $0x6  }
0xa0: {  	(v2sf) =	vpush v8, $0x7  }
0xa1: {  	(v2sf) =	vpush v8, $0x8  }
0xa2: {  	(v2sf) =	vpush v8, $0x9  }
0xa3: {  	(v2sf) =	vpush v8, $0xA  }
0xa4: {  	(v2sf) =	vpush v8, $0xB  }
0xa5: {  	(v2sf) =	vpush v8, $0xC  }
0xa6: {  	(v2sf) =	vpush v8, $0xD  }
0xa7: {  	(v2sf) =	vpush v8, $0xE  }
0xa8: {  	s15 =	spop (v2sf);
	(v2sf) =	vpush v8, $0xF  }
0xa9: {  	s17 =	spop (v2sf)  }
0xaa: {  	s18 =	spop (v2sf);
	s15 =	sadd.s32 s15, s17  }
0xab: {  	s25 =	spop (v2sf);
	s15 =	sadd.s32 s18, s15  }
0xac: {  	s30 =	spop (v2sf);
	s15 =	sadd.s32 s25, s15  }
0xad: {  	s19 =	spop (v2sf);
	s15 =	sadd.s32 s30, s15  }
0xae: {  	s21 =	spop (v2sf);
	s15 =	sadd.s32 s19, s15  }
0xaf: {  	s22 =	spop (v2sf);
	s15 =	sadd.s32 s21, s15  }
0xb0: {  	s23 =	spop (v2sf);
	s15 =	sadd.s32 s22, s15  }
0xb1: {  	s24 =	spop (v2sf);
	s15 =	sadd.s32 s23, s15  }
0xb2: {  	s25 =	spop (v2sf);
	s15 =	sadd.s32 s24, s15  }
0xb3: {  	s30 =	spop (v2sf);
	s15 =	sadd.s32 s25, s15  }
0xb4: {  	s19 =	spop (v2sf);
	s15 =	sadd.s32 s30, s15  }
0xb5: {  	s21 =	spop (v2sf);
	s15 =	sadd.s32 s19, s15  }
0xb6: {  	s22 =	spop (v2sf);
	s15 =	sadd.s32 s21, s15  }
0xb7: {  	s23 =	spop (v2sf);
	s15 =	sadd.s32 s22, s15  }
0xb8: {  	s15 =	sadd.s32 s23, s15  }
0xb9: {  	s15 =	sadd.s32 $0xFFFFFFFF, s15  }
0xba: {  	p4 =	sgt.s32 s15, $0x0  }
0xbb: {  	s15 =	simm.s32 @!p4 $0x0  }
0xbc: {  	s15 =	smul.u32 $0x4E20, s15;
	_ =	sdelay $0x1  }
0xbd: {  	p4 =	slt.s32 s15, $0x4E1FF  }
0xbe: {  	s15 =	simm.s32 @!p4 $0x4E1FF  }
0xbf: {  	v8 =	vadd.s32 s15, v5  }
0xc0: {  	vm1 =	vlt.s32 v8, $0x4E1FF  }
0xc1: {  	v8 =	vnsel vm1, $0x4E1FF, v8;
	_ =	sdelay $0x4  }
0xc2: {  	[tilespmem:s20], [sflag:$0x7] =	stream.indirect_vreg.gather [hbm4b:s2+s5], $0x1, v8, vm0, $0xb8;
	[tilespmem:$0x1E200] =	vst v63  }
0xc3: {  	_ =	swait.ge [sflag:s6], $0x10  }
0xc4: {  	[sflag:s6] =	ssyncset.done $0x0  }
0xc5: {  	[sflag:s6] =	ssyncadd.s32 $0xFFFFFFF0  }
0xc6: {  	v8 =	vld [tilespmem:$0x13100];
	_ =	sdelay $0x4  }
0xc7: {  	vm1 =	vlt.s32 v8, $0x1388  }
0xc8: {  	v8 =	vsel vm1, $0x1, v4  }
0xc9: {  	(v2sf) =	vpush v8, $0x0  }
0xca: {  	(v2sf) =	vpush v8, $0x1  }
0xcb: {  	(v2sf) =	vpush v8, $0x2  }
0xcc: {  	(v2sf) =	vpush v8, $0x3  }
0xcd: {  	(v2sf) =	vpush v8, $0x4  }
0xce: {  	(v2sf) =	vpush v8, $0x5  }
0xcf: {  	(v2sf) =	vpush v8, $0x6  }
0xd0: {  	(v2sf) =	vpush v8, $0x7  }
0xd1: {  	(v2sf) =	vpush v8, $0x8  }
0xd2: {  	(v2sf) =	vpush v8, $0x9  }
0xd3: {  	(v2sf) =	vpush v8, $0xA  }
0xd4: {  	(v2sf) =	vpush v8, $0xB  }
0xd5: {  	(v2sf) =	vpush v8, $0xC  }
0xd6: {  	(v2sf) =	vpush v8, $0xD  }
0xd7: {  	(v2sf) =	vpush v8, $0xE  }
0xd8: {  	s24 =	spop (v2sf);
	(v2sf) =	vpush v8, $0xF  }
0xd9: {  	s25 =	spop (v2sf)  }
0xda: {  	s19 =	spop (v2sf);
	s17 =	sadd.s32 s24, s25  }
0xdb: {  	s30 =	spop (v2sf);
	s17 =	sadd.s32 s19, s17  }
0xdc: {  	s21 =	spop (v2sf);
	s17 =	sadd.s32 s30, s17  }
0xdd: {  	s22 =	spop (v2sf);
	s17 =	sadd.s32 s21, s17  }
0xde: {  	s23 =	spop (v2sf);
	s17 =	sadd.s32 s22, s17  }
0xdf: {  	s24 =	spop (v2sf);
	s17 =	sadd.s32 s23, s17  }
0xe0: {  	s25 =	spop (v2sf);
	s17 =	sadd.s32 s24, s17  }
0xe1: {  	s30 =	spop (v2sf);
	s17 =	sadd.s32 s25, s17  }
0xe2: {  	s21 =	spop (v2sf);
	s17 =	sadd.s32 s30, s17  }
0xe3: {  	s22 =	spop (v2sf);
	s17 =	sadd.s32 s21, s17  }
0xe4: {  	s23 =	spop (v2sf);
	s17 =	sadd.s32 s22, s17  }
0xe5: {  	s24 =	spop (v2sf);
	s17 =	sadd.s32 s23, s17  }
0xe6: {  	s25 =	spop (v2sf);
	s17 =	sadd.s32 s24, s17  }
0xe7: {  	s30 =	spop (v2sf);
	s17 =	sadd.s32 s25, s17  }
0xe8: {  	s17 =	sadd.s32 s30, s17  }
0xe9: {  	s17 =	sadd.s32 $0xFFFFFFFF, s17  }
0xea: {  	p4 =	sgt.s32 s17, $0x0  }
0xeb: {  	s17 =	simm.s32 @!p4 $0x0  }
0xec: {  	s17 =	smul.u32 $0x4E2, s17;
	_ =	sdelay $0x1  }
0xed: {  	s15 =	sadd.s32 s15, s17  }
0xee: {  	p4 =	slt.s32 s15, $0x4E1FF  }
0xef: {  	s15 =	simm.s32 @!p4 $0x4E1FF  }
0xf0: {  	v8 =	vadd.s32 s15, v6  }
0xf1: {  	vm1 =	vlt.s32 v8, $0x4E1FF  }
0xf2: {  	v8 =	vnsel vm1, $0x4E1FF, v8;
	_ =	sdelay $0x4  }
0xf3: {  	[tilespmem:s20], [sflag:$0x7] =	stream.indirect_vreg.gather [hbm4b:s2+s5], $0x1, v8, vm0, $0xb8;
	[tilespmem:$0x1E200] =	vst v63  }
0xf4: {  	_ =	swait.ge [sflag:s6], $0x10  }
0xf5: {  	[sflag:s6] =	ssyncset.done $0x0  }
0xf6: {  	[sflag:s6] =	ssyncadd.s32 $0xFFFFFFF0  }
0xf7: {  	v8 =	vld [tilespmem:$0x13100];
	_ =	sdelay $0x4  }
0xf8: {  	vm1 =	vlt.s32 v8, $0x1388  }
0xf9: {  	v8 =	vsel vm1, $0x1, v4  }
0xfa: {  	(v2sf) =	vpush v8, $0x0  }
0xfb: {  	(v2sf) =	vpush v8, $0x1  }
0xfc: {  	(v2sf) =	vpush v8, $0x2  }
0xfd: {  	(v2sf) =	vpush v8, $0x3  }
0xfe: {  	(v2sf) =	vpush v8, $0x4  }
0xff: {  	(v2sf) =	vpush v8, $0x5  }
0x100: {  	(v2sf) =	vpush v8, $0x6  }
0x101: {  	(v2sf) =	vpush v8, $0x7  }
0x102: {  	(v2sf) =	vpush v8, $0x8  }
0x103: {  	(v2sf) =	vpush v8, $0x9  }
0x104: {  	(v2sf) =	vpush v8, $0xA  }
0x105: {  	(v2sf) =	vpush v8, $0xB  }
0x106: {  	(v2sf) =	vpush v8, $0xC  }
0x107: {  	(v2sf) =	vpush v8, $0xD  }
0x108: {  	(v2sf) =	vpush v8, $0xE  }
0x109: {  	s18 =	spop (v2sf);
	(v2sf) =	vpush v8, $0xF  }
0x10a: {  	s19 =	spop (v2sf)  }
0x10b: {  	s21 =	spop (v2sf);
	s17 =	sadd.s32 s18, s19  }
0x10c: {  	s22 =	spop (v2sf);
	s17 =	sadd.s32 s21, s17  }
0x10d: {  	s23 =	spop (v2sf);
	s17 =	sadd.s32 s22, s17  }
0x10e: {  	s24 =	spop (v2sf);
	s17 =	sadd.s32 s23, s17  }
0x10f: {  	s25 =	spop (v2sf);
	s17 =	sadd.s32 s24, s17  }
0x110: {  	s30 =	spop (v2sf);
	s17 =	sadd.s32 s25, s17  }
0x111: {  	s21 =	spop (v2sf);
	s17 =	sadd.s32 s30, s17  }
0x112: {  	s22 =	spop (v2sf);
	s17 =	sadd.s32 s21, s17  }
0x113: {  	s23 =	spop (v2sf);
	s17 =	sadd.s32 s22, s17  }
0x114: {  	s24 =	spop (v2sf);
	s17 =	sadd.s32 s23, s17  }
0x115: {  	s25 =	spop (v2sf);
	s17 =	sadd.s32 s24, s17  }
0x116: {  	s30 =	spop (v2sf);
	s17 =	sadd.s32 s25, s17  }
0x117: {  	s21 =	spop (v2sf);
	s17 =	sadd.s32 s30, s17  }
0x118: {  	s22 =	spop (v2sf);
	s17 =	sadd.s32 s21, s17  }
0x119: {  	s17 =	sadd.s32 s22, s17  }
0x11a: {  	s17 =	sadd.s32 $0xFFFFFFFF, s17  }
0x11b: {  	p4 =	sgt.s32 s17, $0x0  }
0x11c: {  	s17 =	simm.s32 @!p4 $0x0  }
0x11d: {  	s17 =	smul.u32 $0x4F, s17;
	_ =	sdelay $0x1  }
0x11e: {  	s15 =	sadd.s32 s15, s17  }
0x11f: {  	p4 =	slt.s32 s15, $0x4E1FF  }
0x120: {  	s15 =	simm.s32 @!p4 $0x4E1FF  }
0x121: {  	v8 =	vadd.s32 s15, v7  }
0x122: {  	vm1 =	vlt.s32 v8, $0x4E1FF  }
0x123: {  	v8 =	vnsel vm1, $0x4E1FF, v8;
	_ =	sdelay $0x4  }
0x124: {  	[tilespmem:s20], [sflag:$0x7] =	stream.indirect_vreg.gather [hbm4b:s2+s5], $0x1, v8, vm0, $0xb8;
	[tilespmem:$0x1E200] =	vst v63  }
0x125: {  	_ =	swait.ge [sflag:s6], $0x10  }
0x126: {  	[sflag:s6] =	ssyncset.done $0x0  }
0x127: {  	[sflag:s6] =	ssyncadd.s32 $0xFFFFFFF0  }
0x128: {  	v8 =	vld [tilespmem:$0x13100];
	_ =	sdelay $0x4  }
0x129: {  	vm1 =	vlt.s32 v8, $0x1388  }
0x12a: {  	v8 =	vsel vm1, $0x1, v4  }
0x12b: {  	(v2sf) =	vpush v8, $0x0  }
0x12c: {  	(v2sf) =	vpush v8, $0x1  }
0x12d: {  	(v2sf) =	vpush v8, $0x2  }
0x12e: {  	(v2sf) =	vpush v8, $0x3  }
0x12f: {  	(v2sf) =	vpush v8, $0x4  }
0x130: {  	(v2sf) =	vpush v8, $0x5  }
0x131: {  	(v2sf) =	vpush v8, $0x6  }
0x132: {  	(v2sf) =	vpush v8, $0x7  }
0x133: {  	(v2sf) =	vpush v8, $0x8  }
0x134: {  	(v2sf) =	vpush v8, $0x9  }
0x135: {  	(v2sf) =	vpush v8, $0xA  }
0x136: {  	(v2sf) =	vpush v8, $0xB  }
0x137: {  	(v2sf) =	vpush v8, $0xC  }
0x138: {  	(v2sf) =	vpush v8, $0xD  }
0x139: {  	(v2sf) =	vpush v8, $0xE  }
0x13a: {  	s23 =	spop (v2sf);
	(v2sf) =	vpush v8, $0xF  }
0x13b: {  	s24 =	spop (v2sf)  }
0x13c: {  	s25 =	spop (v2sf);
	s17 =	sadd.s32 s23, s24  }
0x13d: {  	s30 =	spop (v2sf);
	s17 =	sadd.s32 s25, s17  }
0x13e: {  	s21 =	spop (v2sf);
	s17 =	sadd.s32 s30, s17  }
0x13f: {  	s22 =	spop (v2sf);
	s17 =	sadd.s32 s21, s17  }
0x140: {  	s23 =	spop (v2sf);
	s17 =	sadd.s32 s22, s17  }
0x141: {  	s24 =	spop (v2sf);
	s17 =	sadd.s32 s23, s17  }
0x142: {  	s25 =	spop (v2sf);
	s17 =	sadd.s32 s24, s17  }
0x143: {  	s30 =	spop (v2sf);
	s17 =	sadd.s32 s25, s17  }
0x144: {  	s21 =	spop (v2sf);
	s17 =	sadd.s32 s30, s17  }
0x145: {  	s22 =	spop (v2sf);
	s17 =	sadd.s32 s21, s17  }
0x146: {  	s23 =	spop (v2sf);
	s17 =	sadd.s32 s22, s17  }
0x147: {  	s24 =	spop (v2sf);
	s17 =	sadd.s32 s23, s17  }
0x148: {  	s25 =	spop (v2sf);
	s17 =	sadd.s32 s24, s17  }
0x149: {  	s30 =	spop (v2sf);
	s17 =	sadd.s32 s25, s17  }
0x14a: {  	s17 =	sadd.s32 s30, s17  }
0x14b: {  	s17 =	sadd.s32 $0xFFFFFFFF, s17  }
0x14c: {  	p4 =	sgt.s32 s17, $0x0  }
0x14d: {  	s17 =	simm.s32 @!p4 $0x0  }
0x14e: {  	s17 =	smul.u32 $0x5, s17;
	_ =	sdelay $0x1  }
0x14f: {  	s15 =	sadd.s32 s15, s17  }
0x150: {  	p4 =	slt.s32 s15, $0x4E1FF  }
0x151: {  	s15 =	simm.s32 @!p4 $0x4E1FF  }
0x152: {  	v8 =	vadd.s32 s15, v2  }
0x153: {  	vm1 =	vlt.s32 v8, $0x4E1FF  }
0x154: {  	v8 =	vnsel vm1, $0x4E1FF, v8;
	_ =	sdelay $0x4  }
0x155: {  	[tilespmem:s20], [sflag:$0x7] =	stream.indirect_vreg.gather [hbm4b:s2+s5], $0x1, v8, vm0, $0xb8;
	[tilespmem:$0x1E200] =	vst v63  }
0x156: {  	_ =	swait.ge [sflag:s6], $0x10  }
.Ltmp5:
0x157: {  	[sflag:s6] =	ssyncset.done $0x0;
	(pc) =	sbr.rel @!p3 .LBB2_7-.Ltmp5, $4  }
0x158: {  	[sflag:s6] =	ssyncadd.s32 $0xFFFFFFF0  }
0x159: {  	v8 =	vld [tilespmem:$0x13100];
	_ =	swait.ge [sflag:s7], $0x80  }
0x15a: {  	s18 =	sadd.s32 $0xFFFFFFFF, s14;
	[sflag:s7] =	ssyncset.done $0x0  }
0x15b: {  	s19 =	simm.s32 $0x10040;
	s17 =	simm.s32 $0x10040;
	[sflag:s7] =	ssyncadd.s32 $0xFFFFFF80  }
.LBB2_6:
0x15c: {  	p3 =	sne.s32 s18, $0x1;
	s18 =	sadd.s32 $0xFFFFFFFF, s18;
	v9 =	vld [tilespmem:s17+$0x20];
	s19 =	sadd.s32 $0x80, s19  }
0x15d: {  	v10 =	vld [tilespmem:s17+$0x30]  }
0x15e: {  	v11 =	vld [tilespmem:s17+$0x10]  }
0x15f: {  	v12 =	vld [tilespmem:s17+$0x0]  }
0x160: {  	v13 =	vld [tilespmem:s17+$0xFFFFFFF0]  }
0x161: {  	v14 =	vld [tilespmem:s17+$0xFFFFFFE0];
	v9 =	vsub.s32 v9, v0  }
0x162: {  	v15 =	vld [tilespmem:s17+$0xFFFFFFD0];
	v9 =	vmin.u32 v9, $0x1388;
	v10 =	vsub.s32 v10, v0  }
0x163: {  	v16 =	vld [tilespmem:s17+$0xFFFFFFC0];
	v11 =	vsub.s32 v11, v0;
	[tilespmem:s17+$0x20] =	vst v9;
	v9 =	vmin.u32 v10, $0x1388  }
0x164: {  	v10 =	vsub.s32 v12, v0;
	v11 =	vmin.u32 v11, $0x1388;
	[tilespmem:s17+$0x30] =	vst v9  }
0x165: {  	v9 =	vsub.s32 v13, v0;
	v10 =	vmin.u32 v10, $0x1388;
	[tilespmem:s17+$0x10] =	vst v11  }
0x166: {  	v11 =	vsub.s32 v14, v0;
	v9 =	vmin.u32 v9, $0x1388;
	[tilespmem:s17+$0x0] =	vst v10  }
0x167: {  	v10 =	vsub.s32 v15, v0;
	v11 =	vmin.u32 v11, $0x1388;
	[tilespmem:s17+$0xFFFFFFF0] =	vst v9  }
0x168: {  	v9 =	vsub.s32 v16, v0;
	v10 =	vmin.u32 v10, $0x1388;
	[tilespmem:s17+$0xFFFFFFE0] =	vst v11  }
.Ltmp6:
0x169: {  	v9 =	vmin.u32 v9, $0x1388;
	[tilespmem:s17+$0xFFFFFFD0] =	vst v10;
	(pc) =	sbr.rel @p3 .LBB2_6-.Ltmp6, $4  }
0x16a: {  	[tilespmem:s17+$0xFFFFFFC0] =	vst v9;
	s17 =	smov.u32 s19  }
0x16b: {  	_ =	swait.ge [sflag:s7], $0x80  }
0x16c: {  	[sflag:s7] =	ssyncset.done $0x0  }
0x16d: {  	[sflag:s7] =	ssyncadd.s32 $0xFFFFFF80  }
.LBB2_7:
0x16e: {  	v9 =	vld [tilespmem:s17+$0x20]  }
0x16f: {  	v11 =	vld [tilespmem:s17+$0x10]  }
0x170: {  	v10 =	vld [tilespmem:s17+$0x30]  }
0x171: {  	v12 =	vld [tilespmem:s17+$0x0]  }
0x172: {  	v14 =	vld [tilespmem:s17+$0xFFFFFFE0]  }
0x173: {  	v13 =	vld [tilespmem:s17+$0xFFFFFFF0];
	v9 =	vsub.s32 v9, v0  }
0x174: {  	v15 =	vld [tilespmem:s17+$0xFFFFFFD0];
	v11 =	vsub.s32 v11, v0;
	v9 =	vmin.u32 v9, $0x1388  }
0x175: {  	v16 =	vld [tilespmem:s17+$0xFFFFFFC0];
	v10 =	vsub.s32 v10, v0;
	v11 =	vmin.u32 v11, $0x1388;
	[tilespmem:s17+$0x20] =	vst v9  }
0x176: {  	v9 =	vmin.u32 v10, $0x1388;
	v10 =	vsub.s32 v12, v0;
	[tilespmem:s17+$0x10] =	vst v11  }
0x177: {  	v11 =	vsub.s32 v14, v0;
	[tilespmem:s17+$0x30] =	vst v9;
	v10 =	vmin.u32 v10, $0x1388  }
0x178: {  	v9 =	vsub.s32 v13, v0;
	v11 =	vmin.u32 v11, $0x1388;
	[tilespmem:s17+$0x0] =	vst v10  }
0x179: {  	v9 =	vmin.u32 v9, $0x1388;
	v10 =	vsub.s32 v15, v0;
	[tilespmem:s17+$0xFFFFFFE0] =	vst v11  }
0x17a: {  	[tilespmem:s17+$0xFFFFFFF0] =	vst v9;
	v9 =	vsub.s32 v16, v0;
	v10 =	vmin.u32 v10, $0x1388  }
0x17b: {  	v9 =	vmin.u32 v9, $0x1388;
	[tilespmem:s17+$0xFFFFFFD0] =	vst v10  }
0x17c: {  	[tilespmem:s17+$0xFFFFFFC0] =	vst v9  }
0x17d: {  	_ =	swait.ge [sflag:s8], $0x1400  }
0x17e: {  	[sflag:s8] =	ssyncset.done $0x0  }
0x17f: {  	[sflag:s8] =	ssyncadd.s32 $0xFFFFEC00  }
0x180: {  	_ =	swait.ge [sflag:s8], $0x1400  }
0x181: {  	[sflag:s8] =	ssyncset.done $0x0  }
0x182: {  	[sflag:s8] =	ssyncadd.s32 $0xFFFFEC00  }
0x183: {  	_ =	swait.ge [sflag:s8], $0x1400  }
0x184: {  	[sflag:s8] =	ssyncset.done $0x0  }
0x185: {  	[sflag:s8] =	ssyncadd.s32 $0xFFFFEC00  }
0x186: {  	_ =	swait.ge [sflag:s8], $0x1400  }
0x187: {  	[sflag:s8] =	ssyncset.done $0x0  }
0x188: {  	[sflag:s8] =	ssyncadd.s32 $0xFFFFEC00  }
0x189: {  	_ =	swait.ge [sflag:s8], $0x1400  }
0x18a: {  	[sflag:s8] =	ssyncset.done $0x0  }
0x18b: {  	[sflag:s8] =	ssyncadd.s32 $0xFFFFEC00  }
0x18c: {  	_ =	swait.ge [sflag:s8], $0x1400  }
0x18d: {  	[sflag:s8] =	ssyncset.done $0x0  }
0x18e: {  	[sflag:s8] =	ssyncadd.s32 $0xFFFFEC00  }
0x18f: {  	_ =	swait.ge [sflag:s8], $0x1400  }
0x190: {  	[sflag:s8] =	ssyncset.done $0x0  }
0x191: {  	s17 =	simm.s32 @!p2 $0x5;
	[sflag:s8] =	ssyncadd.s32 $0xFFFFEC00  }
0x192: {  	_ =	swait.ge @!p2 [sflag:s17], $0x1400  }
0x193: {  	[sflag:s17] =	ssyncset.done @!p2 $0x0  }
0x194: {  	[sflag:s17] =	ssyncadd.s32 @!p2 $0xFFFFEC00  }
0x195: {  	[bflag:$0x0] =	sbarrier.arrive $0xFFFF  }
0x196: {  	_ =	swait.ge [sflag:s9], $0x4000  }
0x197: {  	[sflag:s9] =	ssyncset.done $0x0  }
0x198: {  	s24 =	simm.s32 $0x10000;
	[sflag:s9] =	ssyncadd.s32 $0xFFFFC000  }
0x199: {  	[spmem:s3] =	stream.indirect.scatter.add.f32 [tilespmem:s5], [sflag:$0x8], $0x80, s24, s10, $0xb8;
	[tilespmem:$0x1E200] =	vst v63  }
0x19a: {  	_ =	swait.ge [sflag:s11], $0x4000  }
0x19b: {  	p3 =	sle.u32 s14, $0x4;
	[sflag:s11] =	ssyncset.done $0x0  }
0x19c: {  	s17 =	simm.s32 @!p3 $0x0;
	[sflag:s11] =	ssyncadd.s32 $0xFFFFC000  }
0x19d: {  	[tilespmem:s17], [sflag:$0x1] =	stream.linear.gather @!p3 [hbm4b:s4+s17], $0x4000, $0x38;
	[tilespmem:$0x1E200] =	vst v63  }
0x19e: {  	_ =	swait.ge [sflag:s12], $0x4000  }
0x19f: {  	[sflag:s12] =	ssyncset.done $0x0  }
0x1a0: {  	s25 =	simm.s32 $0x10080;
	p4 =	sle.u32 s14, $0x5;
	[sflag:s12] =	ssyncadd.s32 $0xFFFFC000  }
0x1a1: {  	[spmem:s3] =	stream.indirect.scatter.add.f32 [tilespmem:s0], [sflag:$0x8], $0x80, s25, s10, $0xb8;
	[tilespmem:$0x1E200] =	vst v63  }
0x1a2: {  	s18 =	simm.s32 @!p4 $0x0;
	_ =	swait.ge [sflag:s11], $0x4000  }
0x1a3: {  	s19 =	simm.s32 @!p4 $0x4000;
	p3 =	sle.u32 s14, $0x2;
	[sflag:s11] =	ssyncset.done $0x0  }
0x1a4: {  	s17 =	sadd.s32 @!p4 $0x800, s4;
	s20 =	simm.s32 @!p3 $0x3;
	[sflag:s11] =	ssyncadd.s32 $0xFFFFC000  }
0x1a5: {  	[tilespmem:s19], [sflag:$0x2] =	stream.linear.gather @!p4 [hbm4b:s17+s18], $0x4000, $0x38;
	[tilespmem:$0x1E200] =	vst v63  }
0x1a6: {  	s17 =	simm.s32 @!p3 $0x8000;
	_ =	swait.ge @!p3 [sflag:s20], $0x4000  }
0x1a7: {  	p4 =	sle.u32 @!p3 s14, $0x6;
	s18 =	simm.s32 @!p3 $0x10100;
	[sflag:s20] =	ssyncset.done @!p3 $0x0  }
0x1a8: {  	s19 =	simm.s32 @!p3 $0x80;
	[sflag:s20] =	ssyncadd.s32 @!p3 $0xFFFFC000;
	s20 =	simm.s32 @!p3 $0x8  }
0x1a9: {  	[spmem:s3] =	stream.indirect.scatter.add.f32 @!p3 [tilespmem:s17], [sflag:$0x8], $0x80, s18, s19, $0xb8;
	[tilespmem:$0x1E200] =	vst v63  }
0x1aa: {  	p5 =	por p4, p3;
	p4 =	sle.u32 s14, $0x3;
	_ =	swait.ge @!p3 [sflag:s20], $0x4000  }
0x1ab: {  	s17 =	simm.s32 @!p5 $0x8000;
	s18 =	sadd.s32 @!p5 $0x1000, s4;
	[sflag:s20] =	ssyncset.done @!p3 $0x0  }
0x1ac: {  	s19 =	simm.s32 @!p5 $0x0;
	[sflag:s20] =	ssyncadd.s32 @!p3 $0xFFFFC000;
	s20 =	simm.s32 @!p4 $0x4  }
0x1ad: {  	[tilespmem:s17], [sflag:$0x3] =	stream.linear.gather @!p5 [hbm4b:s18+s19], $0x4000, $0x38;
	[tilespmem:$0x1E200] =	vst v63  }
0x1ae: {  	s30 =	smov.u32 s4;
	_ =	swait.ge @!p4 [sflag:s20], $0x4000  }
0x1af: {  	s21 =	simm.s32 @!p4 $0x80;
	p3 =	sle.u32 @!p4 s14, $0x7;
	[sflag:s20] =	ssyncset.done @!p4 $0x0  }
0x1b0: {  	s18 =	simm.s32 @!p4 $0xC000;
	s19 =	simm.s32 @!p4 $0x10180;
	[sflag:s20] =	ssyncadd.s32 @!p4 $0xFFFFC000  }
0x1b1: {  	[spmem:s3] =	stream.indirect.scatter.add.f32 @!p4 [tilespmem:s18], [sflag:$0x8], $0x80, s19, s21, $0xb8;
	[tilespmem:$0x1E200] =	vst v63  }
0x1b2: {  	s17 =	simm.s32 $0xB;
	p5 =	por p3, p4;
	s21 =	simm.s32 @!p4 $0x8  }
0x1b3: {  	s18 =	sadd.s32 $0x2000, s4;
	s19 =	simm.s32 $0x10200;
	_ =	swait.ge @!p4 [sflag:s21], $0x4000  }
.LBB2_8:
0x1b4: {  	[sflag:s21] =	ssyncset.done @!p4 $0x0;
	s22 =	sadd.s32 @!p5 $0x1800, s30  }
0x1b5: {  	s23 =	simm.s32 @!p5 $0xC000;
	s20 =	smov.u32 s17;
	s30 =	smov.u32 s18  }
0x1b6: {  	s17 =	sadd.s32 $0x4, s17;
	[sflag:s21] =	ssyncadd.s32 @!p4 $0xFFFFC000;
	s21 =	simm.s32 @!p5 $0x0  }
0x1b7: {  	[tilespmem:s23], [sflag:$0x4] =	stream.linear.gather @!p5 [hbm4b:s22+s21], $0x4000, $0x38;
	[tilespmem:$0x1E200] =	vst v63  }
0x1b8: {  	p3 =	sne.s32 s17, $0x57;
	_ =	swait.ge [sflag:s9], $0x4000  }
0x1b9: {  	s21 =	sadd.s32 $0xFFFFFFFD, s20;
	[sflag:s9] =	ssyncset.done $0x0  }
0x1ba: {  	p4 =	sge.u32 s21, s14;
	[sflag:s9] =	ssyncadd.s32 $0xFFFFC000  }
0x1bb: {  	[spmem:s3] =	stream.indirect.scatter.add.f32 [tilespmem:s5], [sflag:$0x8], $0x80, s19, s10, $0xb8;
	[tilespmem:$0x1E200] =	vst v63  }
0x1bc: {  	s21 =	simm.s32 @!p4 $0x0;
	_ =	swait.ge [sflag:s11], $0x4000  }
0x1bd: {  	[sflag:s11] =	ssyncset.done $0x0  }
0x1be: {  	[sflag:s11] =	ssyncadd.s32 $0xFFFFC000  }
0x1bf: {  	[tilespmem:s21], [sflag:$0x1] =	stream.linear.gather @!p4 [hbm4b:s18+s21], $0x4000, $0x38;
	[tilespmem:$0x1E200] =	vst v63  }
0x1c0: {  	s21 =	sadd.s32 $0x80, s19;
	_ =	swait.ge [sflag:s12], $0x4000  }
0x1c1: {  	s22 =	sadd.s32 $0xFFFFFFFE, s20;
	s18 =	sadd.s32 $0x2000, s18;
	[sflag:s12] =	ssyncset.done $0x0  }
0x1c2: {  	p4 =	sge.u32 s22, s14;
	s22 =	sadd.s32 $0xFFFFFFFB, s20;
	[sflag:s12] =	ssyncadd.s32 $0xFFFFC000  }
0x1c3: {  	[spmem:s3] =	stream.indirect.scatter.add.f32 [tilespmem:s0], [sflag:$0x8], $0x80, s21, s10, $0xb8;
	[tilespmem:$0x1E200] =	vst v63  }
0x1c4: {  	s23 =	simm.s32 @!p4 $0x0;
	s21 =	sadd.s32 @!p4 $0x800, s30;
	_ =	swait.ge [sflag:s11], $0x4000  }
0x1c5: {  	s24 =	simm.s32 @!p4 $0x4000;
	p5 =	sge.u32 s22, s14;
	[sflag:s11] =	ssyncset.done $0x0  }
0x1c6: {  	s22 =	simm.s32 @!p5 $0x3;
	s25 =	sadd.s32 @!p5 $0xFFFFFFFF, s20;
	[sflag:s11] =	ssyncadd.s32 $0xFFFFC000  }
0x1c7: {  	[tilespmem:s24], [sflag:$0x2] =	stream.linear.gather @!p4 [hbm4b:s21+s23], $0x4000, $0x38;
	[tilespmem:$0x1E200] =	vst v63  }
0x1c8: {  	s21 =	simm.s32 @!p5 $0x8000;
	p4 =	sge.u32 @!p5 s25, s14;
	_ =	swait.ge @!p5 [sflag:s22], $0x4000  }
0x1c9: {  	s23 =	sadd.s32 @!p5 $0x100, s19;
	s24 =	simm.s32 @!p5 $0x80;
	[sflag:s22] =	ssyncset.done @!p5 $0x0  }
0x1ca: {  	p6 =	por p4, p5;
	[sflag:s22] =	ssyncadd.s32 @!p5 $0xFFFFC000;
	s22 =	simm.s32 @!p5 $0x8  }
0x1cb: {  	[spmem:s3] =	stream.indirect.scatter.add.f32 @!p5 [tilespmem:s21], [sflag:$0x8], $0x80, s23, s24, $0xb8;
	[tilespmem:$0x1E200] =	vst v63  }
0x1cc: {  	s21 =	simm.s32 @!p6 $0x8000;
	s23 =	sadd.s32 $0xFFFFFFFC, s20;
	_ =	swait.ge @!p5 [sflag:s22], $0x4000  }
0x1cd: {  	s24 =	sadd.s32 @!p6 $0x1000, s30;
	p4 =	sge.u32 s23, s14;
	[sflag:s22] =	ssyncset.done @!p5 $0x0  }
0x1ce: {  	s23 =	simm.s32 @!p4 $0x4;
	[sflag:s22] =	ssyncadd.s32 @!p5 $0xFFFFC000;
	s22 =	simm.s32 @!p6 $0x0  }
0x1cf: {  	[tilespmem:s21], [sflag:$0x3] =	stream.linear.gather @!p6 [hbm4b:s24+s22], $0x4000, $0x38;
	[tilespmem:$0x1E200] =	vst v63  }
.Ltmp7:
0x1d0: {  	s22 =	simm.s32 @!p4 $0xC000;
	_ =	swait.ge @!p4 [sflag:s23], $0x4000;
	(pc) =	sbr.rel @p3 .LBB2_8-.Ltmp7, $4  }
0x1d1: {  	s25 =	simm.s32 @!p4 $0x80;
	s24 =	sadd.s32 @!p4 $0x180, s19;
	[sflag:s23] =	ssyncset.done @!p4 $0x0  }
0x1d2: {  	p5 =	sge.u32 @!p4 s20, s14;
	s21 =	simm.s32 @!p4 $0x8;
	[sflag:s23] =	ssyncadd.s32 @!p4 $0xFFFFC000  }
0x1d3: {  	[spmem:s3] =	stream.indirect.scatter.add.f32 @!p4 [tilespmem:s22], [sflag:$0x8], $0x80, s24, s25, $0xb8;
	[tilespmem:$0x1E200] =	vst v63  }
0x1d4: {  	p5 =	por p5, p4;
	s19 =	sadd.s32 $0x200, s19;
	_ =	swait.ge @!p4 [sflag:s21], $0x4000  }
0x1d5: {  	vm1 =	vlt.s32 v8, $0x1388  }
0x1d6: {  	v8 =	vsel vm1, $0x1, v4  }
0x1d7: {  	(v2sf) =	vpush v8, $0x0  }
0x1d8: {  	(v2sf) =	vpush v8, $0x1  }
0x1d9: {  	(v2sf) =	vpush v8, $0x2  }
0x1da: {  	(v2sf) =	vpush v8, $0x3  }
0x1db: {  	(v2sf) =	vpush v8, $0x4  }
0x1dc: {  	(v2sf) =	vpush v8, $0x5  }
0x1dd: {  	(v2sf) =	vpush v8, $0x6  }
0x1de: {  	(v2sf) =	vpush v8, $0x7  }
0x1df: {  	(v2sf) =	vpush v8, $0x8  }
0x1e0: {  	(v2sf) =	vpush v8, $0x9  }
0x1e1: {  	(v2sf) =	vpush v8, $0xA  }
0x1e2: {  	(v2sf) =	vpush v8, $0xB  }
0x1e3: {  	[sflag:s21] =	ssyncset.done @!p4 $0x0;
	s17 =	sadd.s32 @!p5 $0x1800, s30;
	(v2sf) =	vpush v8, $0xC  }
0x1e4: {  	s18 =	simm.s32 @!p5 $0xC000;
	s19 =	simm.s32 @!p5 $0x0;
	[sflag:s21] =	ssyncadd.s32 @!p4 $0xFFFFC000;
	(v2sf) =	vpush v8, $0xD  }
0x1e5: {  	[tilespmem:s18], [sflag:$0x4] =	stream.linear.gather @!p5 [hbm4b:s17+s19], $0x4000, $0x38;
	(v2sf) =	vpush v8, $0xE;
	[tilespmem:$0x1E200] =	vst v63  }
0x1e6: {  	s20 =	spop (v2sf);
	(v2sf) =	vpush v8, $0xF  }
0x1e7: {  	s21 =	spop (v2sf)  }
0x1e8: {  	s22 =	spop (v2sf);
	s17 =	sadd.s32 s21, s20  }
0x1e9: {  	s23 =	spop (v2sf);
	s17 =	sadd.s32 s22, s17  }
0x1ea: {  	s24 =	spop (v2sf);
	s17 =	sadd.s32 s23, s17  }
0x1eb: {  	s25 =	spop (v2sf);
	s17 =	sadd.s32 s24, s17  }
0x1ec: {  	s20 =	spop (v2sf);
	s17 =	sadd.s32 s25, s17  }
0x1ed: {  	s21 =	spop (v2sf);
	s17 =	sadd.s32 s20, s17  }
0x1ee: {  	s22 =	spop (v2sf);
	s17 =	sadd.s32 s21, s17  }
0x1ef: {  	s23 =	spop (v2sf);
	s17 =	sadd.s32 s22, s17  }
0x1f0: {  	s24 =	spop (v2sf);
	s17 =	sadd.s32 s23, s17  }
0x1f1: {  	s25 =	spop (v2sf);
	s17 =	sadd.s32 s24, s17  }
0x1f2: {  	s20 =	spop (v2sf);
	s17 =	sadd.s32 s25, s17  }
0x1f3: {  	s21 =	spop (v2sf);
	s17 =	sadd.s32 s20, s17  }
0x1f4: {  	s22 =	spop (v2sf);
	s17 =	sadd.s32 s21, s17  }
0x1f5: {  	s17 =	sadd.s32 s22, s17;
	s23 =	spop (v2sf)  }
0x1f6: {  	s17 =	sadd.s32 s23, s17  }
0x1f7: {  	s15 =	sadd.s32 s15, s17  }
0x1f8: {  	p3 =	slt.s32 s15, $0x4E200  }
0x1f9: {  	s15 =	simm.s32 @!p3 $0x4E200  }
0x1fa: {  	s24 =	sadd.s32 $0xF, s15  }
0x1fb: {  	s15 =	sand.u32 $0xFFFFFFF0, s15;
	s17 =	sand.u32 $0xFFFFFFF0, s24  }
0x1fc: {  	p3 =	slt.s32 s15, $0x27100;
	p4 =	sgt.s32 s17, $0x27100  }
0x1fd: {  	s15 =	simm.s32 @!p3 $0x27100;
	s17 =	simm.s32 @!p4 $0x27100  }
0x1fe: {  	s15 =	simm.s32 @p0 $0x27100;
	s17 =	simm.s32 @!p0 $0x27100  }
0x1ff: {  	s17 =	ssub.s32 s17, s15  }
0x200: {  	s25 =	sshra.s32 s17, $0x4  }
0x201: {  	s19 =	sand.u32 $0xFFFFFFF0, s25  }
0x202: {  	s20 =	sshll.u32 s19, $0x4  }
0x203: {  	s17 =	ssub.s32 s17, s20  }
0x204: {  	s21 =	stileid.u32;
	s17 =	sshra.s32 s17, $0x4  }
0x205: {  	s20 =	simm.s32 $0x10;
	p3 =	slt.s32 s21, s17  }
0x206: {  	s20 =	simm.s32 @!p3 $0x0  }
0x207: {  	s18 =	sadd.s32 s25, s20  }
0x208: {  	s18 =	sshra.s32 s18, $0x4  }
0x209: {  	s30 =	rddreg [dreg:$0x14];
	p4 =	slt.s32 s18, $0x1  }
.Ltmp8:
0x20a: {  	s22 =	rddreg [dreg:$0x10];
	(pc) =	sbr.rel @p4 .LBB2_13-.Ltmp8, $4  }
0x20b: {  	s23 =	rddreg [dreg:$0x11]  }
0x20c: {  	s24 =	rddreg [dreg:$0x12]  }
0x20d: {  	s25 =	rddreg [dreg:$0x13]  }
0x20e: {  	s20 =	smov.u32 s1;
	s1 =	rddreg [dreg:$0x15]  }
0x20f: {  	s19 =	smul.u32 s21, s19  }
0x210: {  	s17 =	smov.u32 @p3 s21  }
0x211: {  	s17 =	sshll.u32 s17, $0x4;
	s15 =	sadd.s32 s19, s15  }
0x212: {  	s15 =	sadd.s32 s17, s15  }
0x213: {  	s19 =	rddreg [dreg:$0x0];
	s17 =	sshll.u32 s15, $0x4  }
0x214: {  	s17 =	sadd.s32 s17, s19  }
0x215: {  	[tilespmem:s16], [sflag:$0x8] =	stream.linear.gather [hbm4b:s17+s5], $0x800, $0x38;
	[tilespmem:$0x1E200] =	vst v63  }
0x216: {  	_ =	swait.ge [sflag:s11], $0x800  }
0x217: {  	s19 =	sshrl.u32 s15, $0x3;
	[sflag:s11] =	ssyncset.done $0x0  }
0x218: {  	s19 =	sadd.s32 s2, s19;
	[sflag:s11] =	ssyncadd.s32 $0xFFFFF800  }
0x219: {  	[tilespmem:s26], [sflag:$0x8] =	stream.linear.gather [hbm4b:s19+s5], $0x10, $0x38;
	[tilespmem:$0x1E200] =	vst v63  }
0x21a: {  	_ =	swait.ge [sflag:s11], $0x10  }
0x21b: {  	[sflag:s11] =	ssyncset.done $0x0  }
0x21c: {  	[sflag:s11] =	ssyncadd.s32 $0xFFFFFFF0  }
0x21d: {  	v8 =	vld [tilespmem:$0x13000];
	_ =	sdelay $0x4  }
0x21e: {  	p3 =	sne.s32 s18, $0x1;
	v8 =	vsub.s32 v8, v0  }
.Ltmp9:
0x21f: {  	v8 =	vmin.u32 v8, $0x1388;
	(pc) =	sbr.rel @!p3 .LBB2_12-.Ltmp9, $4  }
0x220: {  	[tilespmem:$0x13080] =	vst v8  }
0x221: {  	[spmem:s3] =	stream.indirect.scatter.add.f32 [tilespmem:s16], [sflag:$0x8], $0x80, s28, s13, $0xb8;
	[tilespmem:$0x1E200] =	vst v63  }
0x222: {  	_ =	swait.ge [sflag:s11], $0x800  }
0x223: {  	s18 =	sadd.s32 $0xFFFFFFFF, s18;
	[sflag:s11] =	ssyncset.done $0x0  }
.LBB2_11:
0x224: {  	[sflag:s11] =	ssyncadd.s32 $0xFFFFF800;
	s17 =	sadd.s32 $0x100, s17;
	s15 =	sadd.s32 $0x10, s15  }
0x225: {  	[tilespmem:s16], [sflag:$0x8] =	stream.linear.gather [hbm4b:s17+s5], $0x800, $0x38;
	[tilespmem:$0x1E200] =	vst v63  }
0x226: {  	p3 =	sne.s32 s18, $0x1;
	s18 =	sadd.s32 $0xFFFFFFFF, s18;
	_ =	swait.ge [sflag:s11], $0x800  }
0x227: {  	s19 =	sshrl.u32 s15, $0x3;
	[sflag:s11] =	ssyncset.done $0x0  }
0x228: {  	s19 =	sadd.s32 s2, s19;
	[sflag:s11] =	ssyncadd.s32 $0xFFFFF800  }
0x229: {  	[tilespmem:s26], [sflag:$0x8] =	stream.linear.gather [hbm4b:s19+s5], $0x10, $0x38;
	[tilespmem:$0x1E200] =	vst v63  }
0x22a: {  	_ =	swait.ge [sflag:s11], $0x10  }
0x22b: {  	[sflag:s11] =	ssyncset.done $0x0  }
0x22c: {  	[sflag:s11] =	ssyncadd.s32 $0xFFFFFFF0  }
0x22d: {  	v8 =	vld [tilespmem:$0x13000];
	_ =	sdelay $0x4  }
0x22e: {  	v8 =	vsub.s32 v8, v0  }
.Ltmp10:
0x22f: {  	v8 =	vmin.u32 v8, $0x1388;
	(pc) =	sbr.rel @p3 .LBB2_11-.Ltmp10, $4  }
0x230: {  	[tilespmem:$0x13080] =	vst v8  }
0x231: {  	[spmem:s3] =	stream.indirect.scatter.add.f32 [tilespmem:s16], [sflag:$0x8], $0x80, s28, s13, $0xb8;
	[tilespmem:$0x1E200] =	vst v63  }
0x232: {  	_ =	swait.ge [sflag:s11], $0x800  }
0x233: {  	[sflag:s11] =	ssyncset.done $0x0  }
.Ltmp11:
0x234: {  	_ = 	snop;
	(pc) =	sbr.rel .LBB2_12-.Ltmp11, $1  }
0x235: {  	_ =	sdelay $0x3  }
.LBB2_14:
0x236: {  	_ =	sfence.sel $0x180000  }
0x237: {  	[bflag:$0x0] =	sbarrier.arrive $0xFFFF  }
0x238: {  	_ =	strace $0x90000047  }
0x239: {  	[bflag:$0x2] =	sbarrier.arrive $0xFFFF  }
0x23a: {  	p0 =	sne.s32 s21, $0x0;
	s0 =	rddreg [dreg:$0x4]  }
0x23b: {  	s0 =	sadd.s32 @!p0 $0x100000, s0  }
0x23c: {  	[sflag:s0] =	ssyncadd.tile.s32 @!p0 $0x1;
	_ =	shalt  }
.Lfunc_end2:
_tile_overlayer_lowered:
.L_overlay_start_2:
0x23d: {  	(tag) =	ssettag $0x2  }
0x23e: {  	s0 =	rddreg [dreg:$0x0];
	s2 =	stileid.u32  }
0x23f: {  	s1 =	rddreg [dreg:$0x1];
	p0 =	sne.s32 s2, $0x0  }
0x240: {  	s3 =	rddreg [dreg:$0x2];
	[bflag:$0x3] =	sbarrier.arrive $0xFFFF;
	s2 =	simm.s32 @!p0 $0x1C08  }
0x241: {  	[timem:s3], [sflag:s2] =	dma.local @!p0 [hbm:s0], s1  }
0x242: {  	s0 =	simm.s32 @!p0 $0x8  }
0x243: {  	_ =	swait.ge @!p0 [sflag:s0], s1  }
0x244: {  	s1 =	ssub.s32 @!p0 $0x0, s1;
	[sflag:s0] =	ssyncset.done @!p0 $0x0  }
0x245: {  	[sflag:s0] =	ssyncadd.s32 @!p0 s1  }
0x246: {  	[bflag:$0x3] =	sbarrier.arrive $0xFFFF  }
0x247: {  	_ =	shalt  }

</sc_bundles>
